<compile_context>
chip_gen: v7x
topology: tpu7x:2x2x1
jax: 0.10.2.dev20260603
libtpu: 0.0.44.dev20260713+nightly
codegen_flags: <defaults>
</compile_context>

<pallas_src>
import functools

import jax
import jax.numpy as jnp
from jax import lax
from jax.experimental import pallas as pl
from jax.experimental.pallas import tpu as pltpu
from jax.experimental.pallas import tpu_sc as plsc

_V, _D, _SEQ, _C = 21129, 768, 40, 12
_B = 4096
_CP = 16
_NW = 32
_BPW = _B // _NW
_SBLK = 512


@functools.partial(
    pl.kernel,
    out_type=jax.ShapeDtypeStruct((_B, _D), jnp.float32),
    mesh=plsc.VectorSubcoreMesh(core_axis_name="c", subcore_axis_name="s"),
    compiler_params=pltpu.CompilerParams(use_tc_tiling_on_sc=False),
    scratch_types=[
        pltpu.VMEM((_SEQ, _BPW), jnp.int32),
        pltpu.VMEM((_BPW, _D), jnp.float32),
        pltpu.SemaphoreType.DMA,
    ],
)
def _sc_pool(emb_hbm, idx_hbm, out_hbm, idx_v, acc_v, sem):
    wid = lax.axis_index("s") * 2 + lax.axis_index("c")
    pltpu.sync_copy(idx_hbm.at[pl.ds(wid * _SEQ, _SEQ)], idx_v)
    pltpu.async_copy(emb_hbm.at[idx_v.at[0]], acc_v, sem).wait()
    for t in range(1, _SEQ):
        pltpu.async_copy(emb_hbm.at[idx_v.at[t]], acc_v, sem, add=True).wait()
    pltpu.sync_copy(acc_v, out_hbm.at[pl.ds(wid * _BPW, _BPW)])


def _tc_head_body(sum_ref, w_ref, b_ref, out_ref):
    m = sum_ref[...] / jnp.float32(_SEQ)
    logits = lax.dot_general(
        m.astype(jnp.bfloat16), w_ref[...].astype(jnp.bfloat16),
        (((1,), (1,)), ((), ())),
        preferred_element_type=jnp.float32) + b_ref[...]
    p = jnp.exp(logits - jnp.max(logits, axis=1, keepdims=True))
    q = p / jnp.sum(p, axis=1, keepdims=True)
    mx = jnp.max(q, axis=1, keepdims=True)
    lanec = lax.broadcasted_iota(jnp.int32, q.shape, 1)
    cand = jnp.where(q == mx, lanec, _CP)
    out_ref[...] = jnp.min(cand, axis=1)


def _tc_head(sums, w_pad, b_pad):
    return pl.pallas_call(
        _tc_head_body,
        grid=(_B // _SBLK,),
        in_specs=[
            pl.BlockSpec((_SBLK, _D), lambda i: (i, 0)),
            pl.BlockSpec((_CP, _D), lambda i: (0, 0)),
            pl.BlockSpec((1, _CP), lambda i: (0, 0)),
        ],
        out_specs=pl.BlockSpec((_SBLK,), lambda i: (i,)),
        out_shape=jax.ShapeDtypeStruct((_B,), jnp.int32),
    )(sums, w_pad, b_pad)


def kernel(input, emb_table, fc_w, fc_b):
    idx = (input.reshape(_NW, _BPW, _SEQ)
           .transpose(0, 2, 1)
           .reshape(_NW * _SEQ, _BPW))
    sums = _sc_pool(emb_table, idx)
    w_pad = jnp.zeros((_CP, _D), jnp.float32).at[:_C].set(fc_w)
    b_pad = jnp.full((1, _CP), -1e30, jnp.float32).at[0, :_C].set(fc_b)
    return _tc_head(sums, w_pad, b_pad)

# --- scband reference (transcript-rebuilt; emitter-appended) ---
"""Pipeline reference for scband-fast-text-71210557767720 (READ-ONLY COPY).

The authoritative reference and input builder live on the scoring server;
editing this copy changes nothing except your own understanding.
"""

import jax, jax.numpy as jnp
import numpy as np

VOCAB = 21129
D = 768
SEQ = 40
NUM_CLASSES = 12
BATCH = 4096

def setup_inputs(seed: int = 0) -> dict:
    key = jax.random.key(seed)
    k1, k2, k3 = jax.random.split(key, 3)
    inp = jax.random.randint(k1, (BATCH, SEQ), 0, VOCAB, dtype=jnp.int32)
    emb_table = jax.random.normal(k2, (VOCAB, D), dtype=jnp.float32) * 0.02
    fc_w = jax.random.normal(k3, (NUM_CLASSES, D), dtype=jnp.float32) * 0.02
    fc_b = jnp.zeros((NUM_CLASSES,), dtype=jnp.float32)
    return {"input": inp, "emb_table": emb_table, "fc_w": fc_w, "fc_b": fc_b}

def reference(input, emb_table, fc_w, fc_b):
    # nn.Embedding lookup -> [B, SEQ, D]
    out = jnp.take(emb_table, input, axis=0)
    # AvgPool1d(kernel_size=40) over the sequence dim (after transpose in torch),
    # seq_len == kernel_size so this is a full mean over axis 1, then squeeze -> [B, D]
    out = jnp.mean(out, axis=1)
    # fc -> [B, NUM_CLASSES]
    logits = out @ fc_w.T + fc_b
    # softmax then argmax (inference branch, label=None)
    probs = jax.nn.softmax(logits, axis=-1)
    return jnp.argmax(probs, axis=-1)

if __name__ == "__main__":
    import jax
    _d = setup_inputs()
    print(jax.jit(kernel)(*tuple(_d.values())))

</pallas_src>

<mosaic_0001>
#map = affine_map<(d0, d1) -> (0, 0)>
module attributes {stable_mosaic.version = 14 : i64} {
  func.func @_sc_pool(%arg0: i32, %arg1: i32, %arg2: memref<21129x768xf32, #tpu.memory_space<hbm>>, %arg3: memref<1280x128xi32, #tpu.memory_space<hbm>>, %arg4: memref<4096x768xf32, #tpu.memory_space<hbm>>, %arg5: memref<40x128xi32, #tpu.memory_space<vmem>>, %arg6: memref<128x768xf32, #tpu.memory_space<vmem>>, %arg7: memref<!tpu.dma_semaphore, #tpu.memory_space<semaphore_mem>>) attributes {dimension_semantics = [#tpu.dimension_semantics<core_parallel>, #tpu.dimension_semantics<subcore_parallel>], iteration_bounds = array<i64: 2, 16>, scalar_prefetch = 0 : i64, scratch_operands = 3 : i64, tpu.core_type = #tpu.core_type<sc_vector_subcore>, window_params = [{transform_indices = #map}, {transform_indices = #map}, {transform_indices = #map}]} {
    %mul3A = arith.constant 2 : i32
    %mul3A_0 = arith.muli %arg1, %mul3A : i32
    %add3A = arith.addi %mul3A_0, %arg0 : i32
    %mul3A_1 = arith.constant 40 : i32
    %mul3A_2 = arith.muli %add3A, %mul3A_1 : i32
    "tpu.region"() ({
      %run_scoped3A = tpu.sem_alloc : memref<!tpu.dma_semaphore, #tpu.memory_space<semaphore_mem>>
      %dma_start3A_563 = arith.constant 0 : i32
      %dma_start3A_564 = tpu.memref_slice %arg3[%mul3A_2, %dma_start3A_563] : memref<1280x128xi32, #tpu.memory_space<hbm>> -> memref<40x128xi32, #tpu.memory_space<hbm>>
      %dma_start3A_565 = arith.constant 0 : i32
      %dma_start3A_566 = tpu.memref_slice %arg3[%mul3A_2, %dma_start3A_565] : memref<1280x128xi32, #tpu.memory_space<hbm>> -> memref<40x128xi32, #tpu.memory_space<hbm>>
      tpu.enqueue_dma source(%dma_start3A_566 : memref<40x128xi32, #tpu.memory_space<hbm>>) target(%arg5 : memref<40x128xi32, #tpu.memory_space<vmem>>) target_semaphore(%run_scoped3A : memref<!tpu.dma_semaphore, #tpu.memory_space<semaphore_mem>>)
      %dma_wait3A_567 = arith.constant 0 : i32
      %dma_wait3A_568 = tpu.memref_slice %arg3[%mul3A_2, %dma_wait3A_567] : memref<1280x128xi32, #tpu.memory_space<hbm>> -> memref<40x128xi32, #tpu.memory_space<hbm>>
      %dma_wait3A_569 = arith.constant 0 : i32
      %dma_wait3A_570 = tpu.memref_slice %arg3[%mul3A_2, %dma_wait3A_569] : memref<1280x128xi32, #tpu.memory_space<hbm>> -> memref<40x128xi32, #tpu.memory_space<hbm>>
      tpu.wait_dma2 semaphore(%run_scoped3A : memref<!tpu.dma_semaphore, #tpu.memory_space<semaphore_mem>>) src(%dma_wait3A_570 : memref<40x128xi32, #tpu.memory_space<hbm>>) dst(%arg5 : memref<40x128xi32, #tpu.memory_space<vmem>>)
      tpu.yield
    }) : () -> ()
    %dma_start3A = arith.constant 0 : i32
    %dma_start3A_3 = arith.constant 0 : i32
    %dma_start3A_4 = tpu.memref_slice %arg5[%dma_start3A, %dma_start3A_3] : memref<40x128xi32, #tpu.memory_space<vmem>> -> memref<1x128xi32, #tpu.memory_space<vmem>>
    %dma_start3A_5 = tpu.memref_squeeze %dma_start3A_4 : memref<1x128xi32, #tpu.memory_space<vmem>> -> memref<128xi32, #tpu.memory_space<vmem>>
    %dma_start3A_6 = arith.constant 0 : i32
    %dma_start3A_7 = arith.constant 0 : i32
    %dma_start3A_8 = tpu.memref_slice %arg2[%dma_start3A_6, %dma_start3A_7] : memref<21129x768xf32, #tpu.memory_space<hbm>> -> memref<21129x768xf32, #tpu.memory_space<hbm>>
    tpu.enqueue_indirect_dma source(%dma_start3A_8 : memref<21129x768xf32, #tpu.memory_space<hbm>>) target(%arg6 : memref<128x768xf32, #tpu.memory_space<vmem>>) offsets(%dma_start3A_5 : memref<128xi32, #tpu.memory_space<vmem>>) semaphore(%arg7 : memref<!tpu.dma_semaphore, #tpu.memory_space<semaphore_mem>>)
    %dma_wait3A = arith.constant 0 : i32
    %dma_wait3A_9 = arith.constant 0 : i32
    %dma_wait3A_10 = tpu.memref_slice %arg5[%dma_wait3A, %dma_wait3A_9] : memref<40x128xi32, #tpu.memory_space<vmem>> -> memref<1x128xi32, #tpu.memory_space<vmem>>
    %dma_wait3A_11 = tpu.memref_squeeze %dma_wait3A_10 : memref<1x128xi32, #tpu.memory_space<vmem>> -> memref<128xi32, #tpu.memory_space<vmem>>
    %dma_wait3A_12 = arith.constant 0 : i32
    %dma_wait3A_13 = arith.constant 0 : i32
    %dma_wait3A_14 = tpu.memref_slice %arg2[%dma_wait3A_12, %dma_wait3A_13] : memref<21129x768xf32, #tpu.memory_space<hbm>> -> memref<21129x768xf32, #tpu.memory_space<hbm>>
    tpu.wait_indirect_dma semaphore(%arg7 : memref<!tpu.dma_semaphore, #tpu.memory_space<semaphore_mem>>) src(%dma_wait3A_14 : memref<21129x768xf32, #tpu.memory_space<hbm>>) dst(%arg6 : memref<128x768xf32, #tpu.memory_space<vmem>>)
    %dma_start3A_15 = arith.constant 1 : i32
    %dma_start3A_16 = arith.constant 0 : i32
    %dma_start3A_17 = tpu.memref_slice %arg5[%dma_start3A_15, %dma_start3A_16] : memref<40x128xi32, #tpu.memory_space<vmem>> -> memref<1x128xi32, #tpu.memory_space<vmem>>
    %dma_start3A_18 = tpu.memref_squeeze %dma_start3A_17 : memref<1x128xi32, #tpu.memory_space<vmem>> -> memref<128xi32, #tpu.memory_space<vmem>>
    %dma_start3A_19 = arith.constant 0 : i32
    %dma_start3A_20 = arith.constant 0 : i32
    %dma_start3A_21 = tpu.memref_slice %arg2[%dma_start3A_19, %dma_start3A_20] : memref<21129x768xf32, #tpu.memory_space<hbm>> -> memref<21129x768xf32, #tpu.memory_space<hbm>>
    tpu.enqueue_indirect_dma source(%dma_start3A_21 : memref<21129x768xf32, #tpu.memory_space<hbm>>) target(%arg6 : memref<128x768xf32, #tpu.memory_space<vmem>>) offsets(%dma_start3A_18 : memref<128xi32, #tpu.memory_space<vmem>>) semaphore(%arg7 : memref<!tpu.dma_semaphore, #tpu.memory_space<semaphore_mem>>) {add = true}
    %dma_wait3A_22 = arith.constant 1 : i32
    %dma_wait3A_23 = arith.constant 0 : i32
    %dma_wait3A_24 = tpu.memref_slice %arg5[%dma_wait3A_22, %dma_wait3A_23] : memref<40x128xi32, #tpu.memory_space<vmem>> -> memref<1x128xi32, #tpu.memory_space<vmem>>
    %dma_wait3A_25 = tpu.memref_squeeze %dma_wait3A_24 : memref<1x128xi32, #tpu.memory_space<vmem>> -> memref<128xi32, #tpu.memory_space<vmem>>
    %dma_wait3A_26 = arith.constant 0 : i32
    %dma_wait3A_27 = arith.constant 0 : i32
    %dma_wait3A_28 = tpu.memref_slice %arg2[%dma_wait3A_26, %dma_wait3A_27] : memref<21129x768xf32, #tpu.memory_space<hbm>> -> memref<21129x768xf32, #tpu.memory_space<hbm>>
    tpu.wait_indirect_dma semaphore(%arg7 : memref<!tpu.dma_semaphore, #tpu.memory_space<semaphore_mem>>) src(%dma_wait3A_28 : memref<21129x768xf32, #tpu.memory_space<hbm>>) dst(%arg6 : memref<128x768xf32, #tpu.memory_space<vmem>>)
    %dma_start3A_29 = arith.constant 2 : i32
    %dma_start3A_30 = arith.constant 0 : i32
    %dma_start3A_31 = tpu.memref_slice %arg5[%dma_start3A_29, %dma_start3A_30] : memref<40x128xi32, #tpu.memory_space<vmem>> -> memref<1x128xi32, #tpu.memory_space<vmem>>
    %dma_start3A_32 = tpu.memref_squeeze %dma_start3A_31 : memref<1x128xi32, #tpu.memory_space<vmem>> -> memref<128xi32, #tpu.memory_space<vmem>>
    %dma_start3A_33 = arith.constant 0 : i32
    %dma_start3A_34 = arith.constant 0 : i32
    %dma_start3A_35 = tpu.memref_slice %arg2[%dma_start3A_33, %dma_start3A_34] : memref<21129x768xf32, #tpu.memory_space<hbm>> -> memref<21129x768xf32, #tpu.memory_space<hbm>>
    tpu.enqueue_indirect_dma source(%dma_start3A_35 : memref<21129x768xf32, #tpu.memory_space<hbm>>) target(%arg6 : memref<128x768xf32, #tpu.memory_space<vmem>>) offsets(%dma_start3A_32 : memref<128xi32, #tpu.memory_space<vmem>>) semaphore(%arg7 : memref<!tpu.dma_semaphore, #tpu.memory_space<semaphore_mem>>) {add = true}
    %dma_wait3A_36 = arith.constant 2 : i32
    %dma_wait3A_37 = arith.constant 0 : i32
    %dma_wait3A_38 = tpu.memref_slice %arg5[%dma_wait3A_36, %dma_wait3A_37] : memref<40x128xi32, #tpu.memory_space<vmem>> -> memref<1x128xi32, #tpu.memory_space<vmem>>
    %dma_wait3A_39 = tpu.memref_squeeze %dma_wait3A_38 : memref<1x128xi32, #tpu.memory_space<vmem>> -> memref<128xi32, #tpu.memory_space<vmem>>
    %dma_wait3A_40 = arith.constant 0 : i32
    %dma_wait3A_41 = arith.constant 0 : i32
    %dma_wait3A_42 = tpu.memref_slice %arg2[%dma_wait3A_40, %dma_wait3A_41] : memref<21129x768xf32, #tpu.memory_space<hbm>> -> memref<21129x768xf32, #tpu.memory_space<hbm>>
    tpu.wait_indirect_dma semaphore(%arg7 : memref<!tpu.dma_semaphore, #tpu.memory_space<semaphore_mem>>) src(%dma_wait3A_42 : memref<21129x768xf32, #tpu.memory_space<hbm>>) dst(%arg6 : memref<128x768xf32, #tpu.memory_space<vmem>>)
    %dma_start3A_43 = arith.constant 3 : i32
    %dma_start3A_44 = arith.constant 0 : i32
    %dma_start3A_45 = tpu.memref_slice %arg5[%dma_start3A_43, %dma_start3A_44] : memref<40x128xi32, #tpu.memory_space<vmem>> -> memref<1x128xi32, #tpu.memory_space<vmem>>
    %dma_start3A_46 = tpu.memref_squeeze %dma_start3A_45 : memref<1x128xi32, #tpu.memory_space<vmem>> -> memref<128xi32, #tpu.memory_space<vmem>>
    %dma_start3A_47 = arith.constant 0 : i32
    %dma_start3A_48 = arith.constant 0 : i32
    %dma_start3A_49 = tpu.memref_slice %arg2[%dma_start3A_47, %dma_start3A_48] : memref<21129x768xf32, #tpu.memory_space<hbm>> -> memref<21129x768xf32, #tpu.memory_space<hbm>>
    tpu.enqueue_indirect_dma source(%dma_start3A_49 : memref<21129x768xf32, #tpu.memory_space<hbm>>) target(%arg6 : memref<128x768xf32, #tpu.memory_space<vmem>>) offsets(%dma_start3A_46 : memref<128xi32, #tpu.memory_space<vmem>>) semaphore(%arg7 : memref<!tpu.dma_semaphore, #tpu.memory_space<semaphore_mem>>) {add = true}
    %dma_wait3A_50 = arith.constant 3 : i32
    %dma_wait3A_51 = arith.constant 0 : i32
    %dma_wait3A_52 = tpu.memref_slice %arg5[%dma_wait3A_50, %dma_wait3A_51] : memref<40x128xi32, #tpu.memory_space<vmem>> -> memref<1x128xi32, #tpu.memory_space<vmem>>
    %dma_wait3A_53 = tpu.memref_squeeze %dma_wait3A_52 : memref<1x128xi32, #tpu.memory_space<vmem>> -> memref<128xi32, #tpu.memory_space<vmem>>
    %dma_wait3A_54 = arith.constant 0 : i32
    %dma_wait3A_55 = arith.constant 0 : i32
    %dma_wait3A_56 = tpu.memref_slice %arg2[%dma_wait3A_54, %dma_wait3A_55] : memref<21129x768xf32, #tpu.memory_space<hbm>> -> memref<21129x768xf32, #tpu.memory_space<hbm>>
    tpu.wait_indirect_dma semaphore(%arg7 : memref<!tpu.dma_semaphore, #tpu.memory_space<semaphore_mem>>) src(%dma_wait3A_56 : memref<21129x768xf32, #tpu.memory_space<hbm>>) dst(%arg6 : memref<128x768xf32, #tpu.memory_space<vmem>>)
    %dma_start3A_57 = arith.constant 4 : i32
    %dma_start3A_58 = arith.constant 0 : i32
    %dma_start3A_59 = tpu.memref_slice %arg5[%dma_start3A_57, %dma_start3A_58] : memref<40x128xi32, #tpu.memory_space<vmem>> -> memref<1x128xi32, #tpu.memory_space<vmem>>
    %dma_start3A_60 = tpu.memref_squeeze %dma_start3A_59 : memref<1x128xi32, #tpu.memory_space<vmem>> -> memref<128xi32, #tpu.memory_space<vmem>>
    %dma_start3A_61 = arith.constant 0 : i32
    %dma_start3A_62 = arith.constant 0 : i32
    %dma_start3A_63 = tpu.memref_slice %arg2[%dma_start3A_61, %dma_start3A_62] : memref<21129x768xf32, #tpu.memory_space<hbm>> -> memref<21129x768xf32, #tpu.memory_space<hbm>>
    tpu.enqueue_indirect_dma source(%dma_start3A_63 : memref<21129x768xf32, #tpu.memory_space<hbm>>) target(%arg6 : memref<128x768xf32, #tpu.memory_space<vmem>>) offsets(%dma_start3A_60 : memref<128xi32, #tpu.memory_space<vmem>>) semaphore(%arg7 : memref<!tpu.dma_semaphore, #tpu.memory_space<semaphore_mem>>) {add = true}
    %dma_wait3A_64 = arith.constant 4 : i32
    %dma_wait3A_65 = arith.constant 0 : i32
    %dma_wait3A_66 = tpu.memref_slice %arg5[%dma_wait3A_64, %dma_wait3A_65] : memref<40x128xi32, #tpu.memory_space<vmem>> -> memref<1x128xi32, #tpu.memory_space<vmem>>
    %dma_wait3A_67 = tpu.memref_squeeze %dma_wait3A_66 : memref<1x128xi32, #tpu.memory_space<vmem>> -> memref<128xi32, #tpu.memory_space<vmem>>
    %dma_wait3A_68 = arith.constant 0 : i32
    %dma_wait3A_69 = arith.constant 0 : i32
    %dma_wait3A_70 = tpu.memref_slice %arg2[%dma_wait3A_68, %dma_wait3A_69] : memref<21129x768xf32, #tpu.memory_space<hbm>> -> memref<21129x768xf32, #tpu.memory_space<hbm>>
    tpu.wait_indirect_dma semaphore(%arg7 : memref<!tpu.dma_semaphore, #tpu.memory_space<semaphore_mem>>) src(%dma_wait3A_70 : memref<21129x768xf32, #tpu.memory_space<hbm>>) dst(%arg6 : memref<128x768xf32, #tpu.memory_space<vmem>>)
    %dma_start3A_71 = arith.constant 5 : i32
    %dma_start3A_72 = arith.constant 0 : i32
    %dma_start3A_73 = tpu.memref_slice %arg5[%dma_start3A_71, %dma_start3A_72] : memref<40x128xi32, #tpu.memory_space<vmem>> -> memref<1x128xi32, #tpu.memory_space<vmem>>
    %dma_start3A_74 = tpu.memref_squeeze %dma_start3A_73 : memref<1x128xi32, #tpu.memory_space<vmem>> -> memref<128xi32, #tpu.memory_space<vmem>>
    %dma_start3A_75 = arith.constant 0 : i32
    %dma_start3A_76 = arith.constant 0 : i32
    %dma_start3A_77 = tpu.memref_slice %arg2[%dma_start3A_75, %dma_start3A_76] : memref<21129x768xf32, #tpu.memory_space<hbm>> -> memref<21129x768xf32, #tpu.memory_space<hbm>>
    tpu.enqueue_indirect_dma source(%dma_start3A_77 : memref<21129x768xf32, #tpu.memory_space<hbm>>) target(%arg6 : memref<128x768xf32, #tpu.memory_space<vmem>>) offsets(%dma_start3A_74 : memref<128xi32, #tpu.memory_space<vmem>>) semaphore(%arg7 : memref<!tpu.dma_semaphore, #tpu.memory_space<semaphore_mem>>) {add = true}
    %dma_wait3A_78 = arith.constant 5 : i32
    %dma_wait3A_79 = arith.constant 0 : i32
    %dma_wait3A_80 = tpu.memref_slice %arg5[%dma_wait3A_78, %dma_wait3A_79] : memref<40x128xi32, #tpu.memory_space<vmem>> -> memref<1x128xi32, #tpu.memory_space<vmem>>
    %dma_wait3A_81 = tpu.memref_squeeze %dma_wait3A_80 : memref<1x128xi32, #tpu.memory_space<vmem>> -> memref<128xi32, #tpu.memory_space<vmem>>
    %dma_wait3A_82 = arith.constant 0 : i32
    %dma_wait3A_83 = arith.constant 0 : i32
    %dma_wait3A_84 = tpu.memref_slice %arg2[%dma_wait3A_82, %dma_wait3A_83] : memref<21129x768xf32, #tpu.memory_space<hbm>> -> memref<21129x768xf32, #tpu.memory_space<hbm>>
    tpu.wait_indirect_dma semaphore(%arg7 : memref<!tpu.dma_semaphore, #tpu.memory_space<semaphore_mem>>) src(%dma_wait3A_84 : memref<21129x768xf32, #tpu.memory_space<hbm>>) dst(%arg6 : memref<128x768xf32, #tpu.memory_space<vmem>>)
    %dma_start3A_85 = arith.constant 6 : i32
    %dma_start3A_86 = arith.constant 0 : i32
    %dma_start3A_87 = tpu.memref_slice %arg5[%dma_start3A_85, %dma_start3A_86] : memref<40x128xi32, #tpu.memory_space<vmem>> -> memref<1x128xi32, #tpu.memory_space<vmem>>
    %dma_start3A_88 = tpu.memref_squeeze %dma_start3A_87 : memref<1x128xi32, #tpu.memory_space<vmem>> -> memref<128xi32, #tpu.memory_space<vmem>>
    %dma_start3A_89 = arith.constant 0 : i32
    %dma_start3A_90 = arith.constant 0 : i32
    %dma_start3A_91 = tpu.memref_slice %arg2[%dma_start3A_89, %dma_start3A_90] : memref<21129x768xf32, #tpu.memory_space<hbm>> -> memref<21129x768xf32, #tpu.memory_space<hbm>>
    tpu.enqueue_indirect_dma source(%dma_start3A_91 : memref<21129x768xf32, #tpu.memory_space<hbm>>) target(%arg6 : memref<128x768xf32, #tpu.memory_space<vmem>>) offsets(%dma_start3A_88 : memref<128xi32, #tpu.memory_space<vmem>>) semaphore(%arg7 : memref<!tpu.dma_semaphore, #tpu.memory_space<semaphore_mem>>) {add = true}
    %dma_wait3A_92 = arith.constant 6 : i32
    %dma_wait3A_93 = arith.constant 0 : i32
    %dma_wait3A_94 = tpu.memref_slice %arg5[%dma_wait3A_92, %dma_wait3A_93] : memref<40x128xi32, #tpu.memory_space<vmem>> -> memref<1x128xi32, #tpu.memory_space<vmem>>
    %dma_wait3A_95 = tpu.memref_squeeze %dma_wait3A_94 : memref<1x128xi32, #tpu.memory_space<vmem>> -> memref<128xi32, #tpu.memory_space<vmem>>
    %dma_wait3A_96 = arith.constant 0 : i32
    %dma_wait3A_97 = arith.constant 0 : i32
    %dma_wait3A_98 = tpu.memref_slice %arg2[%dma_wait3A_96, %dma_wait3A_97] : memref<21129x768xf32, #tpu.memory_space<hbm>> -> memref<21129x768xf32, #tpu.memory_space<hbm>>
    tpu.wait_indirect_dma semaphore(%arg7 : memref<!tpu.dma_semaphore, #tpu.memory_space<semaphore_mem>>) src(%dma_wait3A_98 : memref<21129x768xf32, #tpu.memory_space<hbm>>) dst(%arg6 : memref<128x768xf32, #tpu.memory_space<vmem>>)
    %dma_start3A_99 = arith.constant 7 : i32
    %dma_start3A_100 = arith.constant 0 : i32
    %dma_start3A_101 = tpu.memref_slice %arg5[%dma_start3A_99, %dma_start3A_100] : memref<40x128xi32, #tpu.memory_space<vmem>> -> memref<1x128xi32, #tpu.memory_space<vmem>>
    %dma_start3A_102 = tpu.memref_squeeze %dma_start3A_101 : memref<1x128xi32, #tpu.memory_space<vmem>> -> memref<128xi32, #tpu.memory_space<vmem>>
    %dma_start3A_103 = arith.constant 0 : i32
    %dma_start3A_104 = arith.constant 0 : i32
    %dma_start3A_105 = tpu.memref_slice %arg2[%dma_start3A_103, %dma_start3A_104] : memref<21129x768xf32, #tpu.memory_space<hbm>> -> memref<21129x768xf32, #tpu.memory_space<hbm>>
    tpu.enqueue_indirect_dma source(%dma_start3A_105 : memref<21129x768xf32, #tpu.memory_space<hbm>>) target(%arg6 : memref<128x768xf32, #tpu.memory_space<vmem>>) offsets(%dma_start3A_102 : memref<128xi32, #tpu.memory_space<vmem>>) semaphore(%arg7 : memref<!tpu.dma_semaphore, #tpu.memory_space<semaphore_mem>>) {add = true}
    %dma_wait3A_106 = arith.constant 7 : i32
    %dma_wait3A_107 = arith.constant 0 : i32
    %dma_wait3A_108 = tpu.memref_slice %arg5[%dma_wait3A_106, %dma_wait3A_107] : memref<40x128xi32, #tpu.memory_space<vmem>> -> memref<1x128xi32, #tpu.memory_space<vmem>>
    %dma_wait3A_109 = tpu.memref_squeeze %dma_wait3A_108 : memref<1x128xi32, #tpu.memory_space<vmem>> -> memref<128xi32, #tpu.memory_space<vmem>>
    %dma_wait3A_110 = arith.constant 0 : i32
    %dma_wait3A_111 = arith.constant 0 : i32
    %dma_wait3A_112 = tpu.memref_slice %arg2[%dma_wait3A_110, %dma_wait3A_111] : memref<21129x768xf32, #tpu.memory_space<hbm>> -> memref<21129x768xf32, #tpu.memory_space<hbm>>
    tpu.wait_indirect_dma semaphore(%arg7 : memref<!tpu.dma_semaphore, #tpu.memory_space<semaphore_mem>>) src(%dma_wait3A_112 : memref<21129x768xf32, #tpu.memory_space<hbm>>) dst(%arg6 : memref<128x768xf32, #tpu.memory_space<vmem>>)
    %dma_start3A_113 = arith.constant 8 : i32
    %dma_start3A_114 = arith.constant 0 : i32
    %dma_start3A_115 = tpu.memref_slice %arg5[%dma_start3A_113, %dma_start3A_114] : memref<40x128xi32, #tpu.memory_space<vmem>> -> memref<1x128xi32, #tpu.memory_space<vmem>>
    %dma_start3A_116 = tpu.memref_squeeze %dma_start3A_115 : memref<1x128xi32, #tpu.memory_space<vmem>> -> memref<128xi32, #tpu.memory_space<vmem>>
    %dma_start3A_117 = arith.constant 0 : i32
    %dma_start3A_118 = arith.constant 0 : i32
    %dma_start3A_119 = tpu.memref_slice %arg2[%dma_start3A_117, %dma_start3A_118] : memref<21129x768xf32, #tpu.memory_space<hbm>> -> memref<21129x768xf32, #tpu.memory_space<hbm>>
    tpu.enqueue_indirect_dma source(%dma_start3A_119 : memref<21129x768xf32, #tpu.memory_space<hbm>>) target(%arg6 : memref<128x768xf32, #tpu.memory_space<vmem>>) offsets(%dma_start3A_116 : memref<128xi32, #tpu.memory_space<vmem>>) semaphore(%arg7 : memref<!tpu.dma_semaphore, #tpu.memory_space<semaphore_mem>>) {add = true}
    %dma_wait3A_120 = arith.constant 8 : i32
    %dma_wait3A_121 = arith.constant 0 : i32
    %dma_wait3A_122 = tpu.memref_slice %arg5[%dma_wait3A_120, %dma_wait3A_121] : memref<40x128xi32, #tpu.memory_space<vmem>> -> memref<1x128xi32, #tpu.memory_space<vmem>>
    %dma_wait3A_123 = tpu.memref_squeeze %dma_wait3A_122 : memref<1x128xi32, #tpu.memory_space<vmem>> -> memref<128xi32, #tpu.memory_space<vmem>>
    %dma_wait3A_124 = arith.constant 0 : i32
    %dma_wait3A_125 = arith.constant 0 : i32
    %dma_wait3A_126 = tpu.memref_slice %arg2[%dma_wait3A_124, %dma_wait3A_125] : memref<21129x768xf32, #tpu.memory_space<hbm>> -> memref<21129x768xf32, #tpu.memory_space<hbm>>
    tpu.wait_indirect_dma semaphore(%arg7 : memref<!tpu.dma_semaphore, #tpu.memory_space<semaphore_mem>>) src(%dma_wait3A_126 : memref<21129x768xf32, #tpu.memory_space<hbm>>) dst(%arg6 : memref<128x768xf32, #tpu.memory_space<vmem>>)
    %dma_start3A_127 = arith.constant 9 : i32
    %dma_start3A_128 = arith.constant 0 : i32
    %dma_start3A_129 = tpu.memref_slice %arg5[%dma_start3A_127, %dma_start3A_128] : memref<40x128xi32, #tpu.memory_space<vmem>> -> memref<1x128xi32, #tpu.memory_space<vmem>>
    %dma_start3A_130 = tpu.memref_squeeze %dma_start3A_129 : memref<1x128xi32, #tpu.memory_space<vmem>> -> memref<128xi32, #tpu.memory_space<vmem>>
    %dma_start3A_131 = arith.constant 0 : i32
    %dma_start3A_132 = arith.constant 0 : i32
    %dma_start3A_133 = tpu.memref_slice %arg2[%dma_start3A_131, %dma_start3A_132] : memref<21129x768xf32, #tpu.memory_space<hbm>> -> memref<21129x768xf32, #tpu.memory_space<hbm>>
    tpu.enqueue_indirect_dma source(%dma_start3A_133 : memref<21129x768xf32, #tpu.memory_space<hbm>>) target(%arg6 : memref<128x768xf32, #tpu.memory_space<vmem>>) offsets(%dma_start3A_130 : memref<128xi32, #tpu.memory_space<vmem>>) semaphore(%arg7 : memref<!tpu.dma_semaphore, #tpu.memory_space<semaphore_mem>>) {add = true}
    %dma_wait3A_134 = arith.constant 9 : i32
    %dma_wait3A_135 = arith.constant 0 : i32
    %dma_wait3A_136 = tpu.memref_slice %arg5[%dma_wait3A_134, %dma_wait3A_135] : memref<40x128xi32, #tpu.memory_space<vmem>> -> memref<1x128xi32, #tpu.memory_space<vmem>>
    %dma_wait3A_137 = tpu.memref_squeeze %dma_wait3A_136 : memref<1x128xi32, #tpu.memory_space<vmem>> -> memref<128xi32, #tpu.memory_space<vmem>>
    %dma_wait3A_138 = arith.constant 0 : i32
    %dma_wait3A_139 = arith.constant 0 : i32
    %dma_wait3A_140 = tpu.memref_slice %arg2[%dma_wait3A_138, %dma_wait3A_139] : memref<21129x768xf32, #tpu.memory_space<hbm>> -> memref<21129x768xf32, #tpu.memory_space<hbm>>
    tpu.wait_indirect_dma semaphore(%arg7 : memref<!tpu.dma_semaphore, #tpu.memory_space<semaphore_mem>>) src(%dma_wait3A_140 : memref<21129x768xf32, #tpu.memory_space<hbm>>) dst(%arg6 : memref<128x768xf32, #tpu.memory_space<vmem>>)
    %dma_start3A_141 = arith.constant 10 : i32
    %dma_start3A_142 = arith.constant 0 : i32
    %dma_start3A_143 = tpu.memref_slice %arg5[%dma_start3A_141, %dma_start3A_142] : memref<40x128xi32, #tpu.memory_space<vmem>> -> memref<1x128xi32, #tpu.memory_space<vmem>>
    %dma_start3A_144 = tpu.memref_squeeze %dma_start3A_143 : memref<1x128xi32, #tpu.memory_space<vmem>> -> memref<128xi32, #tpu.memory_space<vmem>>
    %dma_start3A_145 = arith.constant 0 : i32
    %dma_start3A_146 = arith.constant 0 : i32
    %dma_start3A_147 = tpu.memref_slice %arg2[%dma_start3A_145, %dma_start3A_146] : memref<21129x768xf32, #tpu.memory_space<hbm>> -> memref<21129x768xf32, #tpu.memory_space<hbm>>
    tpu.enqueue_indirect_dma source(%dma_start3A_147 : memref<21129x768xf32, #tpu.memory_space<hbm>>) target(%arg6 : memref<128x768xf32, #tpu.memory_space<vmem>>) offsets(%dma_start3A_144 : memref<128xi32, #tpu.memory_space<vmem>>) semaphore(%arg7 : memref<!tpu.dma_semaphore, #tpu.memory_space<semaphore_mem>>) {add = true}
    %dma_wait3A_148 = arith.constant 10 : i32
    %dma_wait3A_149 = arith.constant 0 : i32
    %dma_wait3A_150 = tpu.memref_slice %arg5[%dma_wait3A_148, %dma_wait3A_149] : memref<40x128xi32, #tpu.memory_space<vmem>> -> memref<1x128xi32, #tpu.memory_space<vmem>>
    %dma_wait3A_151 = tpu.memref_squeeze %dma_wait3A_150 : memref<1x128xi32, #tpu.memory_space<vmem>> -> memref<128xi32, #tpu.memory_space<vmem>>
    %dma_wait3A_152 = arith.constant 0 : i32
    %dma_wait3A_153 = arith.constant 0 : i32
    %dma_wait3A_154 = tpu.memref_slice %arg2[%dma_wait3A_152, %dma_wait3A_153] : memref<21129x768xf32, #tpu.memory_space<hbm>> -> memref<21129x768xf32, #tpu.memory_space<hbm>>
    tpu.wait_indirect_dma semaphore(%arg7 : memref<!tpu.dma_semaphore, #tpu.memory_space<semaphore_mem>>) src(%dma_wait3A_154 : memref<21129x768xf32, #tpu.memory_space<hbm>>) dst(%arg6 : memref<128x768xf32, #tpu.memory_space<vmem>>)
    %dma_start3A_155 = arith.constant 11 : i32
    %dma_start3A_156 = arith.constant 0 : i32
    %dma_start3A_157 = tpu.memref_slice %arg5[%dma_start3A_155, %dma_start3A_156] : memref<40x128xi32, #tpu.memory_space<vmem>> -> memref<1x128xi32, #tpu.memory_space<vmem>>
    %dma_start3A_158 = tpu.memref_squeeze %dma_start3A_157 : memref<1x128xi32, #tpu.memory_space<vmem>> -> memref<128xi32, #tpu.memory_space<vmem>>
    %dma_start3A_159 = arith.constant 0 : i32
    %dma_start3A_160 = arith.constant 0 : i32
    %dma_start3A_161 = tpu.memref_slice %arg2[%dma_start3A_159, %dma_start3A_160] : memref<21129x768xf32, #tpu.memory_space<hbm>> -> memref<21129x768xf32, #tpu.memory_space<hbm>>
    tpu.enqueue_indirect_dma source(%dma_start3A_161 : memref<21129x768xf32, #tpu.memory_space<hbm>>) target(%arg6 : memref<128x768xf32, #tpu.memory_space<vmem>>) offsets(%dma_start3A_158 : memref<128xi32, #tpu.memory_space<vmem>>) semaphore(%arg7 : memref<!tpu.dma_semaphore, #tpu.memory_space<semaphore_mem>>) {add = true}
    %dma_wait3A_162 = arith.constant 11 : i32
    %dma_wait3A_163 = arith.constant 0 : i32
    %dma_wait3A_164 = tpu.memref_slice %arg5[%dma_wait3A_162, %dma_wait3A_163] : memref<40x128xi32, #tpu.memory_space<vmem>> -> memref<1x128xi32, #tpu.memory_space<vmem>>
    %dma_wait3A_165 = tpu.memref_squeeze %dma_wait3A_164 : memref<1x128xi32, #tpu.memory_space<vmem>> -> memref<128xi32, #tpu.memory_space<vmem>>
    %dma_wait3A_166 = arith.constant 0 : i32
    %dma_wait3A_167 = arith.constant 0 : i32
    %dma_wait3A_168 = tpu.memref_slice %arg2[%dma_wait3A_166, %dma_wait3A_167] : memref<21129x768xf32, #tpu.memory_space<hbm>> -> memref<21129x768xf32, #tpu.memory_space<hbm>>
    tpu.wait_indirect_dma semaphore(%arg7 : memref<!tpu.dma_semaphore, #tpu.memory_space<semaphore_mem>>) src(%dma_wait3A_168 : memref<21129x768xf32, #tpu.memory_space<hbm>>) dst(%arg6 : memref<128x768xf32, #tpu.memory_space<vmem>>)
    %dma_start3A_169 = arith.constant 12 : i32
    %dma_start3A_170 = arith.constant 0 : i32
    %dma_start3A_171 = tpu.memref_slice %arg5[%dma_start3A_169, %dma_start3A_170] : memref<40x128xi32, #tpu.memory_space<vmem>> -> memref<1x128xi32, #tpu.memory_space<vmem>>
    %dma_start3A_172 = tpu.memref_squeeze %dma_start3A_171 : memref<1x128xi32, #tpu.memory_space<vmem>> -> memref<128xi32, #tpu.memory_space<vmem>>
    %dma_start3A_173 = arith.constant 0 : i32
    %dma_start3A_174 = arith.constant 0 : i32
    %dma_start3A_175 = tpu.memref_slice %arg2[%dma_start3A_173, %dma_start3A_174] : memref<21129x768xf32, #tpu.memory_space<hbm>> -> memref<21129x768xf32, #tpu.memory_space<hbm>>
    tpu.enqueue_indirect_dma source(%dma_start3A_175 : memref<21129x768xf32, #tpu.memory_space<hbm>>) target(%arg6 : memref<128x768xf32, #tpu.memory_space<vmem>>) offsets(%dma_start3A_172 : memref<128xi32, #tpu.memory_space<vmem>>) semaphore(%arg7 : memref<!tpu.dma_semaphore, #tpu.memory_space<semaphore_mem>>) {add = true}
    %dma_wait3A_176 = arith.constant 12 : i32
    %dma_wait3A_177 = arith.constant 0 : i32
    %dma_wait3A_178 = tpu.memref_slice %arg5[%dma_wait3A_176, %dma_wait3A_177] : memref<40x128xi32, #tpu.memory_space<vmem>> -> memref<1x128xi32, #tpu.memory_space<vmem>>
    %dma_wait3A_179 = tpu.memref_squeeze %dma_wait3A_178 : memref<1x128xi32, #tpu.memory_space<vmem>> -> memref<128xi32, #tpu.memory_space<vmem>>
    %dma_wait3A_180 = arith.constant 0 : i32
    %dma_wait3A_181 = arith.constant 0 : i32
    %dma_wait3A_182 = tpu.memref_slice %arg2[%dma_wait3A_180, %dma_wait3A_181] : memref<21129x768xf32, #tpu.memory_space<hbm>> -> memref<21129x768xf32, #tpu.memory_space<hbm>>
    tpu.wait_indirect_dma semaphore(%arg7 : memref<!tpu.dma_semaphore, #tpu.memory_space<semaphore_mem>>) src(%dma_wait3A_182 : memref<21129x768xf32, #tpu.memory_space<hbm>>) dst(%arg6 : memref<128x768xf32, #tpu.memory_space<vmem>>)
    %dma_start3A_183 = arith.constant 13 : i32
    %dma_start3A_184 = arith.constant 0 : i32
    %dma_start3A_185 = tpu.memref_slice %arg5[%dma_start3A_183, %dma_start3A_184] : memref<40x128xi32, #tpu.memory_space<vmem>> -> memref<1x128xi32, #tpu.memory_space<vmem>>
    %dma_start3A_186 = tpu.memref_squeeze %dma_start3A_185 : memref<1x128xi32, #tpu.memory_space<vmem>> -> memref<128xi32, #tpu.memory_space<vmem>>
    %dma_start3A_187 = arith.constant 0 : i32
    %dma_start3A_188 = arith.constant 0 : i32
    %dma_start3A_189 = tpu.memref_slice %arg2[%dma_start3A_187, %dma_start3A_188] : memref<21129x768xf32, #tpu.memory_space<hbm>> -> memref<21129x768xf32, #tpu.memory_space<hbm>>
    tpu.enqueue_indirect_dma source(%dma_start3A_189 : memref<21129x768xf32, #tpu.memory_space<hbm>>) target(%arg6 : memref<128x768xf32, #tpu.memory_space<vmem>>) offsets(%dma_start3A_186 : memref<128xi32, #tpu.memory_space<vmem>>) semaphore(%arg7 : memref<!tpu.dma_semaphore, #tpu.memory_space<semaphore_mem>>) {add = true}
    %dma_wait3A_190 = arith.constant 13 : i32
    %dma_wait3A_191 = arith.constant 0 : i32
    %dma_wait3A_192 = tpu.memref_slice %arg5[%dma_wait3A_190, %dma_wait3A_191] : memref<40x128xi32, #tpu.memory_space<vmem>> -> memref<1x128xi32, #tpu.memory_space<vmem>>
    %dma_wait3A_193 = tpu.memref_squeeze %dma_wait3A_192 : memref<1x128xi32, #tpu.memory_space<vmem>> -> memref<128xi32, #tpu.memory_space<vmem>>
    %dma_wait3A_194 = arith.constant 0 : i32
    %dma_wait3A_195 = arith.constant 0 : i32
    %dma_wait3A_196 = tpu.memref_slice %arg2[%dma_wait3A_194, %dma_wait3A_195] : memref<21129x768xf32, #tpu.memory_space<hbm>> -> memref<21129x768xf32, #tpu.memory_space<hbm>>
    tpu.wait_indirect_dma semaphore(%arg7 : memref<!tpu.dma_semaphore, #tpu.memory_space<semaphore_mem>>) src(%dma_wait3A_196 : memref<21129x768xf32, #tpu.memory_space<hbm>>) dst(%arg6 : memref<128x768xf32, #tpu.memory_space<vmem>>)
    %dma_start3A_197 = arith.constant 14 : i32
    %dma_start3A_198 = arith.constant 0 : i32
    %dma_start3A_199 = tpu.memref_slice %arg5[%dma_start3A_197, %dma_start3A_198] : memref<40x128xi32, #tpu.memory_space<vmem>> -> memref<1x128xi32, #tpu.memory_space<vmem>>
    %dma_start3A_200 = tpu.memref_squeeze %dma_start3A_199 : memref<1x128xi32, #tpu.memory_space<vmem>> -> memref<128xi32, #tpu.memory_space<vmem>>
    %dma_start3A_201 = arith.constant 0 : i32
    %dma_start3A_202 = arith.constant 0 : i32
    %dma_start3A_203 = tpu.memref_slice %arg2[%dma_start3A_201, %dma_start3A_202] : memref<21129x768xf32, #tpu.memory_space<hbm>> -> memref<21129x768xf32, #tpu.memory_space<hbm>>
    tpu.enqueue_indirect_dma source(%dma_start3A_203 : memref<21129x768xf32, #tpu.memory_space<hbm>>) target(%arg6 : memref<128x768xf32, #tpu.memory_space<vmem>>) offsets(%dma_start3A_200 : memref<128xi32, #tpu.memory_space<vmem>>) semaphore(%arg7 : memref<!tpu.dma_semaphore, #tpu.memory_space<semaphore_mem>>) {add = true}
    %dma_wait3A_204 = arith.constant 14 : i32
    %dma_wait3A_205 = arith.constant 0 : i32
    %dma_wait3A_206 = tpu.memref_slice %arg5[%dma_wait3A_204, %dma_wait3A_205] : memref<40x128xi32, #tpu.memory_space<vmem>> -> memref<1x128xi32, #tpu.memory_space<vmem>>
    %dma_wait3A_207 = tpu.memref_squeeze %dma_wait3A_206 : memref<1x128xi32, #tpu.memory_space<vmem>> -> memref<128xi32, #tpu.memory_space<vmem>>
    %dma_wait3A_208 = arith.constant 0 : i32
    %dma_wait3A_209 = arith.constant 0 : i32
    %dma_wait3A_210 = tpu.memref_slice %arg2[%dma_wait3A_208, %dma_wait3A_209] : memref<21129x768xf32, #tpu.memory_space<hbm>> -> memref<21129x768xf32, #tpu.memory_space<hbm>>
    tpu.wait_indirect_dma semaphore(%arg7 : memref<!tpu.dma_semaphore, #tpu.memory_space<semaphore_mem>>) src(%dma_wait3A_210 : memref<21129x768xf32, #tpu.memory_space<hbm>>) dst(%arg6 : memref<128x768xf32, #tpu.memory_space<vmem>>)
    %dma_start3A_211 = arith.constant 15 : i32
    %dma_start3A_212 = arith.constant 0 : i32
    %dma_start3A_213 = tpu.memref_slice %arg5[%dma_start3A_211, %dma_start3A_212] : memref<40x128xi32, #tpu.memory_space<vmem>> -> memref<1x128xi32, #tpu.memory_space<vmem>>
    %dma_start3A_214 = tpu.memref_squeeze %dma_start3A_213 : memref<1x128xi32, #tpu.memory_space<vmem>> -> memref<128xi32, #tpu.memory_space<vmem>>
    %dma_start3A_215 = arith.constant 0 : i32
    %dma_start3A_216 = arith.constant 0 : i32
    %dma_start3A_217 = tpu.memref_slice %arg2[%dma_start3A_215, %dma_start3A_216] : memref<21129x768xf32, #tpu.memory_space<hbm>> -> memref<21129x768xf32, #tpu.memory_space<hbm>>
    tpu.enqueue_indirect_dma source(%dma_start3A_217 : memref<21129x768xf32, #tpu.memory_space<hbm>>) target(%arg6 : memref<128x768xf32, #tpu.memory_space<vmem>>) offsets(%dma_start3A_214 : memref<128xi32, #tpu.memory_space<vmem>>) semaphore(%arg7 : memref<!tpu.dma_semaphore, #tpu.memory_space<semaphore_mem>>) {add = true}
    %dma_wait3A_218 = arith.constant 15 : i32
    %dma_wait3A_219 = arith.constant 0 : i32
    %dma_wait3A_220 = tpu.memref_slice %arg5[%dma_wait3A_218, %dma_wait3A_219] : memref<40x128xi32, #tpu.memory_space<vmem>> -> memref<1x128xi32, #tpu.memory_space<vmem>>
    %dma_wait3A_221 = tpu.memref_squeeze %dma_wait3A_220 : memref<1x128xi32, #tpu.memory_space<vmem>> -> memref<128xi32, #tpu.memory_space<vmem>>
    %dma_wait3A_222 = arith.constant 0 : i32
    %dma_wait3A_223 = arith.constant 0 : i32
    %dma_wait3A_224 = tpu.memref_slice %arg2[%dma_wait3A_222, %dma_wait3A_223] : memref<21129x768xf32, #tpu.memory_space<hbm>> -> memref<21129x768xf32, #tpu.memory_space<hbm>>
    tpu.wait_indirect_dma semaphore(%arg7 : memref<!tpu.dma_semaphore, #tpu.memory_space<semaphore_mem>>) src(%dma_wait3A_224 : memref<21129x768xf32, #tpu.memory_space<hbm>>) dst(%arg6 : memref<128x768xf32, #tpu.memory_space<vmem>>)
    %dma_start3A_225 = arith.constant 16 : i32
    %dma_start3A_226 = arith.constant 0 : i32
    %dma_start3A_227 = tpu.memref_slice %arg5[%dma_start3A_225, %dma_start3A_226] : memref<40x128xi32, #tpu.memory_space<vmem>> -> memref<1x128xi32, #tpu.memory_space<vmem>>
    %dma_start3A_228 = tpu.memref_squeeze %dma_start3A_227 : memref<1x128xi32, #tpu.memory_space<vmem>> -> memref<128xi32, #tpu.memory_space<vmem>>
    %dma_start3A_229 = arith.constant 0 : i32
    %dma_start3A_230 = arith.constant 0 : i32
    %dma_start3A_231 = tpu.memref_slice %arg2[%dma_start3A_229, %dma_start3A_230] : memref<21129x768xf32, #tpu.memory_space<hbm>> -> memref<21129x768xf32, #tpu.memory_space<hbm>>
    tpu.enqueue_indirect_dma source(%dma_start3A_231 : memref<21129x768xf32, #tpu.memory_space<hbm>>) target(%arg6 : memref<128x768xf32, #tpu.memory_space<vmem>>) offsets(%dma_start3A_228 : memref<128xi32, #tpu.memory_space<vmem>>) semaphore(%arg7 : memref<!tpu.dma_semaphore, #tpu.memory_space<semaphore_mem>>) {add = true}
    %dma_wait3A_232 = arith.constant 16 : i32
    %dma_wait3A_233 = arith.constant 0 : i32
    %dma_wait3A_234 = tpu.memref_slice %arg5[%dma_wait3A_232, %dma_wait3A_233] : memref<40x128xi32, #tpu.memory_space<vmem>> -> memref<1x128xi32, #tpu.memory_space<vmem>>
    %dma_wait3A_235 = tpu.memref_squeeze %dma_wait3A_234 : memref<1x128xi32, #tpu.memory_space<vmem>> -> memref<128xi32, #tpu.memory_space<vmem>>
    %dma_wait3A_236 = arith.constant 0 : i32
    %dma_wait3A_237 = arith.constant 0 : i32
    %dma_wait3A_238 = tpu.memref_slice %arg2[%dma_wait3A_236, %dma_wait3A_237] : memref<21129x768xf32, #tpu.memory_space<hbm>> -> memref<21129x768xf32, #tpu.memory_space<hbm>>
    tpu.wait_indirect_dma semaphore(%arg7 : memref<!tpu.dma_semaphore, #tpu.memory_space<semaphore_mem>>) src(%dma_wait3A_238 : memref<21129x768xf32, #tpu.memory_space<hbm>>) dst(%arg6 : memref<128x768xf32, #tpu.memory_space<vmem>>)
    %dma_start3A_239 = arith.constant 17 : i32
    %dma_start3A_240 = arith.constant 0 : i32
    %dma_start3A_241 = tpu.memref_slice %arg5[%dma_start3A_239, %dma_start3A_240] : memref<40x128xi32, #tpu.memory_space<vmem>> -> memref<1x128xi32, #tpu.memory_space<vmem>>
    %dma_start3A_242 = tpu.memref_squeeze %dma_start3A_241 : memref<1x128xi32, #tpu.memory_space<vmem>> -> memref<128xi32, #tpu.memory_space<vmem>>
    %dma_start3A_243 = arith.constant 0 : i32
    %dma_start3A_244 = arith.constant 0 : i32
    %dma_start3A_245 = tpu.memref_slice %arg2[%dma_start3A_243, %dma_start3A_244] : memref<21129x768xf32, #tpu.memory_space<hbm>> -> memref<21129x768xf32, #tpu.memory_space<hbm>>
    tpu.enqueue_indirect_dma source(%dma_start3A_245 : memref<21129x768xf32, #tpu.memory_space<hbm>>) target(%arg6 : memref<128x768xf32, #tpu.memory_space<vmem>>) offsets(%dma_start3A_242 : memref<128xi32, #tpu.memory_space<vmem>>) semaphore(%arg7 : memref<!tpu.dma_semaphore, #tpu.memory_space<semaphore_mem>>) {add = true}
    %dma_wait3A_246 = arith.constant 17 : i32
    %dma_wait3A_247 = arith.constant 0 : i32
    %dma_wait3A_248 = tpu.memref_slice %arg5[%dma_wait3A_246, %dma_wait3A_247] : memref<40x128xi32, #tpu.memory_space<vmem>> -> memref<1x128xi32, #tpu.memory_space<vmem>>
    %dma_wait3A_249 = tpu.memref_squeeze %dma_wait3A_248 : memref<1x128xi32, #tpu.memory_space<vmem>> -> memref<128xi32, #tpu.memory_space<vmem>>
    %dma_wait3A_250 = arith.constant 0 : i32
    %dma_wait3A_251 = arith.constant 0 : i32
    %dma_wait3A_252 = tpu.memref_slice %arg2[%dma_wait3A_250, %dma_wait3A_251] : memref<21129x768xf32, #tpu.memory_space<hbm>> -> memref<21129x768xf32, #tpu.memory_space<hbm>>
    tpu.wait_indirect_dma semaphore(%arg7 : memref<!tpu.dma_semaphore, #tpu.memory_space<semaphore_mem>>) src(%dma_wait3A_252 : memref<21129x768xf32, #tpu.memory_space<hbm>>) dst(%arg6 : memref<128x768xf32, #tpu.memory_space<vmem>>)
    %dma_start3A_253 = arith.constant 18 : i32
    %dma_start3A_254 = arith.constant 0 : i32
    %dma_start3A_255 = tpu.memref_slice %arg5[%dma_start3A_253, %dma_start3A_254] : memref<40x128xi32, #tpu.memory_space<vmem>> -> memref<1x128xi32, #tpu.memory_space<vmem>>
    %dma_start3A_256 = tpu.memref_squeeze %dma_start3A_255 : memref<1x128xi32, #tpu.memory_space<vmem>> -> memref<128xi32, #tpu.memory_space<vmem>>
    %dma_start3A_257 = arith.constant 0 : i32
    %dma_start3A_258 = arith.constant 0 : i32
    %dma_start3A_259 = tpu.memref_slice %arg2[%dma_start3A_257, %dma_start3A_258] : memref<21129x768xf32, #tpu.memory_space<hbm>> -> memref<21129x768xf32, #tpu.memory_space<hbm>>
    tpu.enqueue_indirect_dma source(%dma_start3A_259 : memref<21129x768xf32, #tpu.memory_space<hbm>>) target(%arg6 : memref<128x768xf32, #tpu.memory_space<vmem>>) offsets(%dma_start3A_256 : memref<128xi32, #tpu.memory_space<vmem>>) semaphore(%arg7 : memref<!tpu.dma_semaphore, #tpu.memory_space<semaphore_mem>>) {add = true}
    %dma_wait3A_260 = arith.constant 18 : i32
    %dma_wait3A_261 = arith.constant 0 : i32
    %dma_wait3A_262 = tpu.memref_slice %arg5[%dma_wait3A_260, %dma_wait3A_261] : memref<40x128xi32, #tpu.memory_space<vmem>> -> memref<1x128xi32, #tpu.memory_space<vmem>>
    %dma_wait3A_263 = tpu.memref_squeeze %dma_wait3A_262 : memref<1x128xi32, #tpu.memory_space<vmem>> -> memref<128xi32, #tpu.memory_space<vmem>>
    %dma_wait3A_264 = arith.constant 0 : i32
    %dma_wait3A_265 = arith.constant 0 : i32
    %dma_wait3A_266 = tpu.memref_slice %arg2[%dma_wait3A_264, %dma_wait3A_265] : memref<21129x768xf32, #tpu.memory_space<hbm>> -> memref<21129x768xf32, #tpu.memory_space<hbm>>
    tpu.wait_indirect_dma semaphore(%arg7 : memref<!tpu.dma_semaphore, #tpu.memory_space<semaphore_mem>>) src(%dma_wait3A_266 : memref<21129x768xf32, #tpu.memory_space<hbm>>) dst(%arg6 : memref<128x768xf32, #tpu.memory_space<vmem>>)
    %dma_start3A_267 = arith.constant 19 : i32
    %dma_start3A_268 = arith.constant 0 : i32
    %dma_start3A_269 = tpu.memref_slice %arg5[%dma_start3A_267, %dma_start3A_268] : memref<40x128xi32, #tpu.memory_space<vmem>> -> memref<1x128xi32, #tpu.memory_space<vmem>>
    %dma_start3A_270 = tpu.memref_squeeze %dma_start3A_269 : memref<1x128xi32, #tpu.memory_space<vmem>> -> memref<128xi32, #tpu.memory_space<vmem>>
    %dma_start3A_271 = arith.constant 0 : i32
    %dma_start3A_272 = arith.constant 0 : i32
    %dma_start3A_273 = tpu.memref_slice %arg2[%dma_start3A_271, %dma_start3A_272] : memref<21129x768xf32, #tpu.memory_space<hbm>> -> memref<21129x768xf32, #tpu.memory_space<hbm>>
    tpu.enqueue_indirect_dma source(%dma_start3A_273 : memref<21129x768xf32, #tpu.memory_space<hbm>>) target(%arg6 : memref<128x768xf32, #tpu.memory_space<vmem>>) offsets(%dma_start3A_270 : memref<128xi32, #tpu.memory_space<vmem>>) semaphore(%arg7 : memref<!tpu.dma_semaphore, #tpu.memory_space<semaphore_mem>>) {add = true}
    %dma_wait3A_274 = arith.constant 19 : i32
    %dma_wait3A_275 = arith.constant 0 : i32
    %dma_wait3A_276 = tpu.memref_slice %arg5[%dma_wait3A_274, %dma_wait3A_275] : memref<40x128xi32, #tpu.memory_space<vmem>> -> memref<1x128xi32, #tpu.memory_space<vmem>>
    %dma_wait3A_277 = tpu.memref_squeeze %dma_wait3A_276 : memref<1x128xi32, #tpu.memory_space<vmem>> -> memref<128xi32, #tpu.memory_space<vmem>>
    %dma_wait3A_278 = arith.constant 0 : i32
    %dma_wait3A_279 = arith.constant 0 : i32
    %dma_wait3A_280 = tpu.memref_slice %arg2[%dma_wait3A_278, %dma_wait3A_279] : memref<21129x768xf32, #tpu.memory_space<hbm>> -> memref<21129x768xf32, #tpu.memory_space<hbm>>
    tpu.wait_indirect_dma semaphore(%arg7 : memref<!tpu.dma_semaphore, #tpu.memory_space<semaphore_mem>>) src(%dma_wait3A_280 : memref<21129x768xf32, #tpu.memory_space<hbm>>) dst(%arg6 : memref<128x768xf32, #tpu.memory_space<vmem>>)
    %dma_start3A_281 = arith.constant 20 : i32
    %dma_start3A_282 = arith.constant 0 : i32
    %dma_start3A_283 = tpu.memref_slice %arg5[%dma_start3A_281, %dma_start3A_282] : memref<40x128xi32, #tpu.memory_space<vmem>> -> memref<1x128xi32, #tpu.memory_space<vmem>>
    %dma_start3A_284 = tpu.memref_squeeze %dma_start3A_283 : memref<1x128xi32, #tpu.memory_space<vmem>> -> memref<128xi32, #tpu.memory_space<vmem>>
    %dma_start3A_285 = arith.constant 0 : i32
    %dma_start3A_286 = arith.constant 0 : i32
    %dma_start3A_287 = tpu.memref_slice %arg2[%dma_start3A_285, %dma_start3A_286] : memref<21129x768xf32, #tpu.memory_space<hbm>> -> memref<21129x768xf32, #tpu.memory_space<hbm>>
    tpu.enqueue_indirect_dma source(%dma_start3A_287 : memref<21129x768xf32, #tpu.memory_space<hbm>>) target(%arg6 : memref<128x768xf32, #tpu.memory_space<vmem>>) offsets(%dma_start3A_284 : memref<128xi32, #tpu.memory_space<vmem>>) semaphore(%arg7 : memref<!tpu.dma_semaphore, #tpu.memory_space<semaphore_mem>>) {add = true}
    %dma_wait3A_288 = arith.constant 20 : i32
    %dma_wait3A_289 = arith.constant 0 : i32
    %dma_wait3A_290 = tpu.memref_slice %arg5[%dma_wait3A_288, %dma_wait3A_289] : memref<40x128xi32, #tpu.memory_space<vmem>> -> memref<1x128xi32, #tpu.memory_space<vmem>>
    %dma_wait3A_291 = tpu.memref_squeeze %dma_wait3A_290 : memref<1x128xi32, #tpu.memory_space<vmem>> -> memref<128xi32, #tpu.memory_space<vmem>>
    %dma_wait3A_292 = arith.constant 0 : i32
    %dma_wait3A_293 = arith.constant 0 : i32
    %dma_wait3A_294 = tpu.memref_slice %arg2[%dma_wait3A_292, %dma_wait3A_293] : memref<21129x768xf32, #tpu.memory_space<hbm>> -> memref<21129x768xf32, #tpu.memory_space<hbm>>
    tpu.wait_indirect_dma semaphore(%arg7 : memref<!tpu.dma_semaphore, #tpu.memory_space<semaphore_mem>>) src(%dma_wait3A_294 : memref<21129x768xf32, #tpu.memory_space<hbm>>) dst(%arg6 : memref<128x768xf32, #tpu.memory_space<vmem>>)
    %dma_start3A_295 = arith.constant 21 : i32
    %dma_start3A_296 = arith.constant 0 : i32
    %dma_start3A_297 = tpu.memref_slice %arg5[%dma_start3A_295, %dma_start3A_296] : memref<40x128xi32, #tpu.memory_space<vmem>> -> memref<1x128xi32, #tpu.memory_space<vmem>>
    %dma_start3A_298 = tpu.memref_squeeze %dma_start3A_297 : memref<1x128xi32, #tpu.memory_space<vmem>> -> memref<128xi32, #tpu.memory_space<vmem>>
    %dma_start3A_299 = arith.constant 0 : i32
    %dma_start3A_300 = arith.constant 0 : i32
    %dma_start3A_301 = tpu.memref_slice %arg2[%dma_start3A_299, %dma_start3A_300] : memref<21129x768xf32, #tpu.memory_space<hbm>> -> memref<21129x768xf32, #tpu.memory_space<hbm>>
    tpu.enqueue_indirect_dma source(%dma_start3A_301 : memref<21129x768xf32, #tpu.memory_space<hbm>>) target(%arg6 : memref<128x768xf32, #tpu.memory_space<vmem>>) offsets(%dma_start3A_298 : memref<128xi32, #tpu.memory_space<vmem>>) semaphore(%arg7 : memref<!tpu.dma_semaphore, #tpu.memory_space<semaphore_mem>>) {add = true}
    %dma_wait3A_302 = arith.constant 21 : i32
    %dma_wait3A_303 = arith.constant 0 : i32
    %dma_wait3A_304 = tpu.memref_slice %arg5[%dma_wait3A_302, %dma_wait3A_303] : memref<40x128xi32, #tpu.memory_space<vmem>> -> memref<1x128xi32, #tpu.memory_space<vmem>>
    %dma_wait3A_305 = tpu.memref_squeeze %dma_wait3A_304 : memref<1x128xi32, #tpu.memory_space<vmem>> -> memref<128xi32, #tpu.memory_space<vmem>>
    %dma_wait3A_306 = arith.constant 0 : i32
    %dma_wait3A_307 = arith.constant 0 : i32
    %dma_wait3A_308 = tpu.memref_slice %arg2[%dma_wait3A_306, %dma_wait3A_307] : memref<21129x768xf32, #tpu.memory_space<hbm>> -> memref<21129x768xf32, #tpu.memory_space<hbm>>
    tpu.wait_indirect_dma semaphore(%arg7 : memref<!tpu.dma_semaphore, #tpu.memory_space<semaphore_mem>>) src(%dma_wait3A_308 : memref<21129x768xf32, #tpu.memory_space<hbm>>) dst(%arg6 : memref<128x768xf32, #tpu.memory_space<vmem>>)
    %dma_start3A_309 = arith.constant 22 : i32
    %dma_start3A_310 = arith.constant 0 : i32
    %dma_start3A_311 = tpu.memref_slice %arg5[%dma_start3A_309, %dma_start3A_310] : memref<40x128xi32, #tpu.memory_space<vmem>> -> memref<1x128xi32, #tpu.memory_space<vmem>>
    %dma_start3A_312 = tpu.memref_squeeze %dma_start3A_311 : memref<1x128xi32, #tpu.memory_space<vmem>> -> memref<128xi32, #tpu.memory_space<vmem>>
    %dma_start3A_313 = arith.constant 0 : i32
    %dma_start3A_314 = arith.constant 0 : i32
    %dma_start3A_315 = tpu.memref_slice %arg2[%dma_start3A_313, %dma_start3A_314] : memref<21129x768xf32, #tpu.memory_space<hbm>> -> memref<21129x768xf32, #tpu.memory_space<hbm>>
    tpu.enqueue_indirect_dma source(%dma_start3A_315 : memref<21129x768xf32, #tpu.memory_space<hbm>>) target(%arg6 : memref<128x768xf32, #tpu.memory_space<vmem>>) offsets(%dma_start3A_312 : memref<128xi32, #tpu.memory_space<vmem>>) semaphore(%arg7 : memref<!tpu.dma_semaphore, #tpu.memory_space<semaphore_mem>>) {add = true}
    %dma_wait3A_316 = arith.constant 22 : i32
    %dma_wait3A_317 = arith.constant 0 : i32
    %dma_wait3A_318 = tpu.memref_slice %arg5[%dma_wait3A_316, %dma_wait3A_317] : memref<40x128xi32, #tpu.memory_space<vmem>> -> memref<1x128xi32, #tpu.memory_space<vmem>>
    %dma_wait3A_319 = tpu.memref_squeeze %dma_wait3A_318 : memref<1x128xi32, #tpu.memory_space<vmem>> -> memref<128xi32, #tpu.memory_space<vmem>>
    %dma_wait3A_320 = arith.constant 0 : i32
    %dma_wait3A_321 = arith.constant 0 : i32
    %dma_wait3A_322 = tpu.memref_slice %arg2[%dma_wait3A_320, %dma_wait3A_321] : memref<21129x768xf32, #tpu.memory_space<hbm>> -> memref<21129x768xf32, #tpu.memory_space<hbm>>
    tpu.wait_indirect_dma semaphore(%arg7 : memref<!tpu.dma_semaphore, #tpu.memory_space<semaphore_mem>>) src(%dma_wait3A_322 : memref<21129x768xf32, #tpu.memory_space<hbm>>) dst(%arg6 : memref<128x768xf32, #tpu.memory_space<vmem>>)
    %dma_start3A_323 = arith.constant 23 : i32
    %dma_start3A_324 = arith.constant 0 : i32
    %dma_start3A_325 = tpu.memref_slice %arg5[%dma_start3A_323, %dma_start3A_324] : memref<40x128xi32, #tpu.memory_space<vmem>> -> memref<1x128xi32, #tpu.memory_space<vmem>>
    %dma_start3A_326 = tpu.memref_squeeze %dma_start3A_325 : memref<1x128xi32, #tpu.memory_space<vmem>> -> memref<128xi32, #tpu.memory_space<vmem>>
    %dma_start3A_327 = arith.constant 0 : i32
    %dma_start3A_328 = arith.constant 0 : i32
    %dma_start3A_329 = tpu.memref_slice %arg2[%dma_start3A_327, %dma_start3A_328] : memref<21129x768xf32, #tpu.memory_space<hbm>> -> memref<21129x768xf32, #tpu.memory_space<hbm>>
    tpu.enqueue_indirect_dma source(%dma_start3A_329 : memref<21129x768xf32, #tpu.memory_space<hbm>>) target(%arg6 : memref<128x768xf32, #tpu.memory_space<vmem>>) offsets(%dma_start3A_326 : memref<128xi32, #tpu.memory_space<vmem>>) semaphore(%arg7 : memref<!tpu.dma_semaphore, #tpu.memory_space<semaphore_mem>>) {add = true}
    %dma_wait3A_330 = arith.constant 23 : i32
    %dma_wait3A_331 = arith.constant 0 : i32
    %dma_wait3A_332 = tpu.memref_slice %arg5[%dma_wait3A_330, %dma_wait3A_331] : memref<40x128xi32, #tpu.memory_space<vmem>> -> memref<1x128xi32, #tpu.memory_space<vmem>>
    %dma_wait3A_333 = tpu.memref_squeeze %dma_wait3A_332 : memref<1x128xi32, #tpu.memory_space<vmem>> -> memref<128xi32, #tpu.memory_space<vmem>>
    %dma_wait3A_334 = arith.constant 0 : i32
    %dma_wait3A_335 = arith.constant 0 : i32
    %dma_wait3A_336 = tpu.memref_slice %arg2[%dma_wait3A_334, %dma_wait3A_335] : memref<21129x768xf32, #tpu.memory_space<hbm>> -> memref<21129x768xf32, #tpu.memory_space<hbm>>
    tpu.wait_indirect_dma semaphore(%arg7 : memref<!tpu.dma_semaphore, #tpu.memory_space<semaphore_mem>>) src(%dma_wait3A_336 : memref<21129x768xf32, #tpu.memory_space<hbm>>) dst(%arg6 : memref<128x768xf32, #tpu.memory_space<vmem>>)
    %dma_start3A_337 = arith.constant 24 : i32
    %dma_start3A_338 = arith.constant 0 : i32
    %dma_start3A_339 = tpu.memref_slice %arg5[%dma_start3A_337, %dma_start3A_338] : memref<40x128xi32, #tpu.memory_space<vmem>> -> memref<1x128xi32, #tpu.memory_space<vmem>>
    %dma_start3A_340 = tpu.memref_squeeze %dma_start3A_339 : memref<1x128xi32, #tpu.memory_space<vmem>> -> memref<128xi32, #tpu.memory_space<vmem>>
    %dma_start3A_341 = arith.constant 0 : i32
    %dma_start3A_342 = arith.constant 0 : i32
    %dma_start3A_343 = tpu.memref_slice %arg2[%dma_start3A_341, %dma_start3A_342] : memref<21129x768xf32, #tpu.memory_space<hbm>> -> memref<21129x768xf32, #tpu.memory_space<hbm>>
    tpu.enqueue_indirect_dma source(%dma_start3A_343 : memref<21129x768xf32, #tpu.memory_space<hbm>>) target(%arg6 : memref<128x768xf32, #tpu.memory_space<vmem>>) offsets(%dma_start3A_340 : memref<128xi32, #tpu.memory_space<vmem>>) semaphore(%arg7 : memref<!tpu.dma_semaphore, #tpu.memory_space<semaphore_mem>>) {add = true}
    %dma_wait3A_344 = arith.constant 24 : i32
    %dma_wait3A_345 = arith.constant 0 : i32
    %dma_wait3A_346 = tpu.memref_slice %arg5[%dma_wait3A_344, %dma_wait3A_345] : memref<40x128xi32, #tpu.memory_space<vmem>> -> memref<1x128xi32, #tpu.memory_space<vmem>>
    %dma_wait3A_347 = tpu.memref_squeeze %dma_wait3A_346 : memref<1x128xi32, #tpu.memory_space<vmem>> -> memref<128xi32, #tpu.memory_space<vmem>>
    %dma_wait3A_348 = arith.constant 0 : i32
    %dma_wait3A_349 = arith.constant 0 : i32
    %dma_wait3A_350 = tpu.memref_slice %arg2[%dma_wait3A_348, %dma_wait3A_349] : memref<21129x768xf32, #tpu.memory_space<hbm>> -> memref<21129x768xf32, #tpu.memory_space<hbm>>
    tpu.wait_indirect_dma semaphore(%arg7 : memref<!tpu.dma_semaphore, #tpu.memory_space<semaphore_mem>>) src(%dma_wait3A_350 : memref<21129x768xf32, #tpu.memory_space<hbm>>) dst(%arg6 : memref<128x768xf32, #tpu.memory_space<vmem>>)
    %dma_start3A_351 = arith.constant 25 : i32
    %dma_start3A_352 = arith.constant 0 : i32
    %dma_start3A_353 = tpu.memref_slice %arg5[%dma_start3A_351, %dma_start3A_352] : memref<40x128xi32, #tpu.memory_space<vmem>> -> memref<1x128xi32, #tpu.memory_space<vmem>>
    %dma_start3A_354 = tpu.memref_squeeze %dma_start3A_353 : memref<1x128xi32, #tpu.memory_space<vmem>> -> memref<128xi32, #tpu.memory_space<vmem>>
    %dma_start3A_355 = arith.constant 0 : i32
    %dma_start3A_356 = arith.constant 0 : i32
    %dma_start3A_357 = tpu.memref_slice %arg2[%dma_start3A_355, %dma_start3A_356] : memref<21129x768xf32, #tpu.memory_space<hbm>> -> memref<21129x768xf32, #tpu.memory_space<hbm>>
    tpu.enqueue_indirect_dma source(%dma_start3A_357 : memref<21129x768xf32, #tpu.memory_space<hbm>>) target(%arg6 : memref<128x768xf32, #tpu.memory_space<vmem>>) offsets(%dma_start3A_354 : memref<128xi32, #tpu.memory_space<vmem>>) semaphore(%arg7 : memref<!tpu.dma_semaphore, #tpu.memory_space<semaphore_mem>>) {add = true}
    %dma_wait3A_358 = arith.constant 25 : i32
    %dma_wait3A_359 = arith.constant 0 : i32
    %dma_wait3A_360 = tpu.memref_slice %arg5[%dma_wait3A_358, %dma_wait3A_359] : memref<40x128xi32, #tpu.memory_space<vmem>> -> memref<1x128xi32, #tpu.memory_space<vmem>>
    %dma_wait3A_361 = tpu.memref_squeeze %dma_wait3A_360 : memref<1x128xi32, #tpu.memory_space<vmem>> -> memref<128xi32, #tpu.memory_space<vmem>>
    %dma_wait3A_362 = arith.constant 0 : i32
    %dma_wait3A_363 = arith.constant 0 : i32
    %dma_wait3A_364 = tpu.memref_slice %arg2[%dma_wait3A_362, %dma_wait3A_363] : memref<21129x768xf32, #tpu.memory_space<hbm>> -> memref<21129x768xf32, #tpu.memory_space<hbm>>
    tpu.wait_indirect_dma semaphore(%arg7 : memref<!tpu.dma_semaphore, #tpu.memory_space<semaphore_mem>>) src(%dma_wait3A_364 : memref<21129x768xf32, #tpu.memory_space<hbm>>) dst(%arg6 : memref<128x768xf32, #tpu.memory_space<vmem>>)
    %dma_start3A_365 = arith.constant 26 : i32
    %dma_start3A_366 = arith.constant 0 : i32
    %dma_start3A_367 = tpu.memref_slice %arg5[%dma_start3A_365, %dma_start3A_366] : memref<40x128xi32, #tpu.memory_space<vmem>> -> memref<1x128xi32, #tpu.memory_space<vmem>>
    %dma_start3A_368 = tpu.memref_squeeze %dma_start3A_367 : memref<1x128xi32, #tpu.memory_space<vmem>> -> memref<128xi32, #tpu.memory_space<vmem>>
    %dma_start3A_369 = arith.constant 0 : i32
    %dma_start3A_370 = arith.constant 0 : i32
    %dma_start3A_371 = tpu.memref_slice %arg2[%dma_start3A_369, %dma_start3A_370] : memref<21129x768xf32, #tpu.memory_space<hbm>> -> memref<21129x768xf32, #tpu.memory_space<hbm>>
    tpu.enqueue_indirect_dma source(%dma_start3A_371 : memref<21129x768xf32, #tpu.memory_space<hbm>>) target(%arg6 : memref<128x768xf32, #tpu.memory_space<vmem>>) offsets(%dma_start3A_368 : memref<128xi32, #tpu.memory_space<vmem>>) semaphore(%arg7 : memref<!tpu.dma_semaphore, #tpu.memory_space<semaphore_mem>>) {add = true}
    %dma_wait3A_372 = arith.constant 26 : i32
    %dma_wait3A_373 = arith.constant 0 : i32
    %dma_wait3A_374 = tpu.memref_slice %arg5[%dma_wait3A_372, %dma_wait3A_373] : memref<40x128xi32, #tpu.memory_space<vmem>> -> memref<1x128xi32, #tpu.memory_space<vmem>>
    %dma_wait3A_375 = tpu.memref_squeeze %dma_wait3A_374 : memref<1x128xi32, #tpu.memory_space<vmem>> -> memref<128xi32, #tpu.memory_space<vmem>>
    %dma_wait3A_376 = arith.constant 0 : i32
    %dma_wait3A_377 = arith.constant 0 : i32
    %dma_wait3A_378 = tpu.memref_slice %arg2[%dma_wait3A_376, %dma_wait3A_377] : memref<21129x768xf32, #tpu.memory_space<hbm>> -> memref<21129x768xf32, #tpu.memory_space<hbm>>
    tpu.wait_indirect_dma semaphore(%arg7 : memref<!tpu.dma_semaphore, #tpu.memory_space<semaphore_mem>>) src(%dma_wait3A_378 : memref<21129x768xf32, #tpu.memory_space<hbm>>) dst(%arg6 : memref<128x768xf32, #tpu.memory_space<vmem>>)
    %dma_start3A_379 = arith.constant 27 : i32
    %dma_start3A_380 = arith.constant 0 : i32
    %dma_start3A_381 = tpu.memref_slice %arg5[%dma_start3A_379, %dma_start3A_380] : memref<40x128xi32, #tpu.memory_space<vmem>> -> memref<1x128xi32, #tpu.memory_space<vmem>>
    %dma_start3A_382 = tpu.memref_squeeze %dma_start3A_381 : memref<1x128xi32, #tpu.memory_space<vmem>> -> memref<128xi32, #tpu.memory_space<vmem>>
    %dma_start3A_383 = arith.constant 0 : i32
    %dma_start3A_384 = arith.constant 0 : i32
    %dma_start3A_385 = tpu.memref_slice %arg2[%dma_start3A_383, %dma_start3A_384] : memref<21129x768xf32, #tpu.memory_space<hbm>> -> memref<21129x768xf32, #tpu.memory_space<hbm>>
    tpu.enqueue_indirect_dma source(%dma_start3A_385 : memref<21129x768xf32, #tpu.memory_space<hbm>>) target(%arg6 : memref<128x768xf32, #tpu.memory_space<vmem>>) offsets(%dma_start3A_382 : memref<128xi32, #tpu.memory_space<vmem>>) semaphore(%arg7 : memref<!tpu.dma_semaphore, #tpu.memory_space<semaphore_mem>>) {add = true}
    %dma_wait3A_386 = arith.constant 27 : i32
    %dma_wait3A_387 = arith.constant 0 : i32
    %dma_wait3A_388 = tpu.memref_slice %arg5[%dma_wait3A_386, %dma_wait3A_387] : memref<40x128xi32, #tpu.memory_space<vmem>> -> memref<1x128xi32, #tpu.memory_space<vmem>>
    %dma_wait3A_389 = tpu.memref_squeeze %dma_wait3A_388 : memref<1x128xi32, #tpu.memory_space<vmem>> -> memref<128xi32, #tpu.memory_space<vmem>>
    %dma_wait3A_390 = arith.constant 0 : i32
    %dma_wait3A_391 = arith.constant 0 : i32
    %dma_wait3A_392 = tpu.memref_slice %arg2[%dma_wait3A_390, %dma_wait3A_391] : memref<21129x768xf32, #tpu.memory_space<hbm>> -> memref<21129x768xf32, #tpu.memory_space<hbm>>
    tpu.wait_indirect_dma semaphore(%arg7 : memref<!tpu.dma_semaphore, #tpu.memory_space<semaphore_mem>>) src(%dma_wait3A_392 : memref<21129x768xf32, #tpu.memory_space<hbm>>) dst(%arg6 : memref<128x768xf32, #tpu.memory_space<vmem>>)
    %dma_start3A_393 = arith.constant 28 : i32
    %dma_start3A_394 = arith.constant 0 : i32
    %dma_start3A_395 = tpu.memref_slice %arg5[%dma_start3A_393, %dma_start3A_394] : memref<40x128xi32, #tpu.memory_space<vmem>> -> memref<1x128xi32, #tpu.memory_space<vmem>>
    %dma_start3A_396 = tpu.memref_squeeze %dma_start3A_395 : memref<1x128xi32, #tpu.memory_space<vmem>> -> memref<128xi32, #tpu.memory_space<vmem>>
    %dma_start3A_397 = arith.constant 0 : i32
    %dma_start3A_398 = arith.constant 0 : i32
    %dma_start3A_399 = tpu.memref_slice %arg2[%dma_start3A_397, %dma_start3A_398] : memref<21129x768xf32, #tpu.memory_space<hbm>> -> memref<21129x768xf32, #tpu.memory_space<hbm>>
    tpu.enqueue_indirect_dma source(%dma_start3A_399 : memref<21129x768xf32, #tpu.memory_space<hbm>>) target(%arg6 : memref<128x768xf32, #tpu.memory_space<vmem>>) offsets(%dma_start3A_396 : memref<128xi32, #tpu.memory_space<vmem>>) semaphore(%arg7 : memref<!tpu.dma_semaphore, #tpu.memory_space<semaphore_mem>>) {add = true}
    %dma_wait3A_400 = arith.constant 28 : i32
    %dma_wait3A_401 = arith.constant 0 : i32
    %dma_wait3A_402 = tpu.memref_slice %arg5[%dma_wait3A_400, %dma_wait3A_401] : memref<40x128xi32, #tpu.memory_space<vmem>> -> memref<1x128xi32, #tpu.memory_space<vmem>>
    %dma_wait3A_403 = tpu.memref_squeeze %dma_wait3A_402 : memref<1x128xi32, #tpu.memory_space<vmem>> -> memref<128xi32, #tpu.memory_space<vmem>>
    %dma_wait3A_404 = arith.constant 0 : i32
    %dma_wait3A_405 = arith.constant 0 : i32
    %dma_wait3A_406 = tpu.memref_slice %arg2[%dma_wait3A_404, %dma_wait3A_405] : memref<21129x768xf32, #tpu.memory_space<hbm>> -> memref<21129x768xf32, #tpu.memory_space<hbm>>
    tpu.wait_indirect_dma semaphore(%arg7 : memref<!tpu.dma_semaphore, #tpu.memory_space<semaphore_mem>>) src(%dma_wait3A_406 : memref<21129x768xf32, #tpu.memory_space<hbm>>) dst(%arg6 : memref<128x768xf32, #tpu.memory_space<vmem>>)
    %dma_start3A_407 = arith.constant 29 : i32
    %dma_start3A_408 = arith.constant 0 : i32
    %dma_start3A_409 = tpu.memref_slice %arg5[%dma_start3A_407, %dma_start3A_408] : memref<40x128xi32, #tpu.memory_space<vmem>> -> memref<1x128xi32, #tpu.memory_space<vmem>>
    %dma_start3A_410 = tpu.memref_squeeze %dma_start3A_409 : memref<1x128xi32, #tpu.memory_space<vmem>> -> memref<128xi32, #tpu.memory_space<vmem>>
    %dma_start3A_411 = arith.constant 0 : i32
    %dma_start3A_412 = arith.constant 0 : i32
    %dma_start3A_413 = tpu.memref_slice %arg2[%dma_start3A_411, %dma_start3A_412] : memref<21129x768xf32, #tpu.memory_space<hbm>> -> memref<21129x768xf32, #tpu.memory_space<hbm>>
    tpu.enqueue_indirect_dma source(%dma_start3A_413 : memref<21129x768xf32, #tpu.memory_space<hbm>>) target(%arg6 : memref<128x768xf32, #tpu.memory_space<vmem>>) offsets(%dma_start3A_410 : memref<128xi32, #tpu.memory_space<vmem>>) semaphore(%arg7 : memref<!tpu.dma_semaphore, #tpu.memory_space<semaphore_mem>>) {add = true}
    %dma_wait3A_414 = arith.constant 29 : i32
    %dma_wait3A_415 = arith.constant 0 : i32
    %dma_wait3A_416 = tpu.memref_slice %arg5[%dma_wait3A_414, %dma_wait3A_415] : memref<40x128xi32, #tpu.memory_space<vmem>> -> memref<1x128xi32, #tpu.memory_space<vmem>>
    %dma_wait3A_417 = tpu.memref_squeeze %dma_wait3A_416 : memref<1x128xi32, #tpu.memory_space<vmem>> -> memref<128xi32, #tpu.memory_space<vmem>>
    %dma_wait3A_418 = arith.constant 0 : i32
    %dma_wait3A_419 = arith.constant 0 : i32
    %dma_wait3A_420 = tpu.memref_slice %arg2[%dma_wait3A_418, %dma_wait3A_419] : memref<21129x768xf32, #tpu.memory_space<hbm>> -> memref<21129x768xf32, #tpu.memory_space<hbm>>
    tpu.wait_indirect_dma semaphore(%arg7 : memref<!tpu.dma_semaphore, #tpu.memory_space<semaphore_mem>>) src(%dma_wait3A_420 : memref<21129x768xf32, #tpu.memory_space<hbm>>) dst(%arg6 : memref<128x768xf32, #tpu.memory_space<vmem>>)
    %dma_start3A_421 = arith.constant 30 : i32
    %dma_start3A_422 = arith.constant 0 : i32
    %dma_start3A_423 = tpu.memref_slice %arg5[%dma_start3A_421, %dma_start3A_422] : memref<40x128xi32, #tpu.memory_space<vmem>> -> memref<1x128xi32, #tpu.memory_space<vmem>>
    %dma_start3A_424 = tpu.memref_squeeze %dma_start3A_423 : memref<1x128xi32, #tpu.memory_space<vmem>> -> memref<128xi32, #tpu.memory_space<vmem>>
    %dma_start3A_425 = arith.constant 0 : i32
    %dma_start3A_426 = arith.constant 0 : i32
    %dma_start3A_427 = tpu.memref_slice %arg2[%dma_start3A_425, %dma_start3A_426] : memref<21129x768xf32, #tpu.memory_space<hbm>> -> memref<21129x768xf32, #tpu.memory_space<hbm>>
    tpu.enqueue_indirect_dma source(%dma_start3A_427 : memref<21129x768xf32, #tpu.memory_space<hbm>>) target(%arg6 : memref<128x768xf32, #tpu.memory_space<vmem>>) offsets(%dma_start3A_424 : memref<128xi32, #tpu.memory_space<vmem>>) semaphore(%arg7 : memref<!tpu.dma_semaphore, #tpu.memory_space<semaphore_mem>>) {add = true}
    %dma_wait3A_428 = arith.constant 30 : i32
    %dma_wait3A_429 = arith.constant 0 : i32
    %dma_wait3A_430 = tpu.memref_slice %arg5[%dma_wait3A_428, %dma_wait3A_429] : memref<40x128xi32, #tpu.memory_space<vmem>> -> memref<1x128xi32, #tpu.memory_space<vmem>>
    %dma_wait3A_431 = tpu.memref_squeeze %dma_wait3A_430 : memref<1x128xi32, #tpu.memory_space<vmem>> -> memref<128xi32, #tpu.memory_space<vmem>>
    %dma_wait3A_432 = arith.constant 0 : i32
    %dma_wait3A_433 = arith.constant 0 : i32
    %dma_wait3A_434 = tpu.memref_slice %arg2[%dma_wait3A_432, %dma_wait3A_433] : memref<21129x768xf32, #tpu.memory_space<hbm>> -> memref<21129x768xf32, #tpu.memory_space<hbm>>
    tpu.wait_indirect_dma semaphore(%arg7 : memref<!tpu.dma_semaphore, #tpu.memory_space<semaphore_mem>>) src(%dma_wait3A_434 : memref<21129x768xf32, #tpu.memory_space<hbm>>) dst(%arg6 : memref<128x768xf32, #tpu.memory_space<vmem>>)
    %dma_start3A_435 = arith.constant 31 : i32
    %dma_start3A_436 = arith.constant 0 : i32
    %dma_start3A_437 = tpu.memref_slice %arg5[%dma_start3A_435, %dma_start3A_436] : memref<40x128xi32, #tpu.memory_space<vmem>> -> memref<1x128xi32, #tpu.memory_space<vmem>>
    %dma_start3A_438 = tpu.memref_squeeze %dma_start3A_437 : memref<1x128xi32, #tpu.memory_space<vmem>> -> memref<128xi32, #tpu.memory_space<vmem>>
    %dma_start3A_439 = arith.constant 0 : i32
    %dma_start3A_440 = arith.constant 0 : i32
    %dma_start3A_441 = tpu.memref_slice %arg2[%dma_start3A_439, %dma_start3A_440] : memref<21129x768xf32, #tpu.memory_space<hbm>> -> memref<21129x768xf32, #tpu.memory_space<hbm>>
    tpu.enqueue_indirect_dma source(%dma_start3A_441 : memref<21129x768xf32, #tpu.memory_space<hbm>>) target(%arg6 : memref<128x768xf32, #tpu.memory_space<vmem>>) offsets(%dma_start3A_438 : memref<128xi32, #tpu.memory_space<vmem>>) semaphore(%arg7 : memref<!tpu.dma_semaphore, #tpu.memory_space<semaphore_mem>>) {add = true}
    %dma_wait3A_442 = arith.constant 31 : i32
    %dma_wait3A_443 = arith.constant 0 : i32
    %dma_wait3A_444 = tpu.memref_slice %arg5[%dma_wait3A_442, %dma_wait3A_443] : memref<40x128xi32, #tpu.memory_space<vmem>> -> memref<1x128xi32, #tpu.memory_space<vmem>>
    %dma_wait3A_445 = tpu.memref_squeeze %dma_wait3A_444 : memref<1x128xi32, #tpu.memory_space<vmem>> -> memref<128xi32, #tpu.memory_space<vmem>>
    %dma_wait3A_446 = arith.constant 0 : i32
    %dma_wait3A_447 = arith.constant 0 : i32
    %dma_wait3A_448 = tpu.memref_slice %arg2[%dma_wait3A_446, %dma_wait3A_447] : memref<21129x768xf32, #tpu.memory_space<hbm>> -> memref<21129x768xf32, #tpu.memory_space<hbm>>
    tpu.wait_indirect_dma semaphore(%arg7 : memref<!tpu.dma_semaphore, #tpu.memory_space<semaphore_mem>>) src(%dma_wait3A_448 : memref<21129x768xf32, #tpu.memory_space<hbm>>) dst(%arg6 : memref<128x768xf32, #tpu.memory_space<vmem>>)
    %dma_start3A_449 = arith.constant 32 : i32
    %dma_start3A_450 = arith.constant 0 : i32
    %dma_start3A_451 = tpu.memref_slice %arg5[%dma_start3A_449, %dma_start3A_450] : memref<40x128xi32, #tpu.memory_space<vmem>> -> memref<1x128xi32, #tpu.memory_space<vmem>>
    %dma_start3A_452 = tpu.memref_squeeze %dma_start3A_451 : memref<1x128xi32, #tpu.memory_space<vmem>> -> memref<128xi32, #tpu.memory_space<vmem>>
    %dma_start3A_453 = arith.constant 0 : i32
    %dma_start3A_454 = arith.constant 0 : i32
    %dma_start3A_455 = tpu.memref_slice %arg2[%dma_start3A_453, %dma_start3A_454] : memref<21129x768xf32, #tpu.memory_space<hbm>> -> memref<21129x768xf32, #tpu.memory_space<hbm>>
    tpu.enqueue_indirect_dma source(%dma_start3A_455 : memref<21129x768xf32, #tpu.memory_space<hbm>>) target(%arg6 : memref<128x768xf32, #tpu.memory_space<vmem>>) offsets(%dma_start3A_452 : memref<128xi32, #tpu.memory_space<vmem>>) semaphore(%arg7 : memref<!tpu.dma_semaphore, #tpu.memory_space<semaphore_mem>>) {add = true}
    %dma_wait3A_456 = arith.constant 32 : i32
    %dma_wait3A_457 = arith.constant 0 : i32
    %dma_wait3A_458 = tpu.memref_slice %arg5[%dma_wait3A_456, %dma_wait3A_457] : memref<40x128xi32, #tpu.memory_space<vmem>> -> memref<1x128xi32, #tpu.memory_space<vmem>>
    %dma_wait3A_459 = tpu.memref_squeeze %dma_wait3A_458 : memref<1x128xi32, #tpu.memory_space<vmem>> -> memref<128xi32, #tpu.memory_space<vmem>>
    %dma_wait3A_460 = arith.constant 0 : i32
    %dma_wait3A_461 = arith.constant 0 : i32
    %dma_wait3A_462 = tpu.memref_slice %arg2[%dma_wait3A_460, %dma_wait3A_461] : memref<21129x768xf32, #tpu.memory_space<hbm>> -> memref<21129x768xf32, #tpu.memory_space<hbm>>
    tpu.wait_indirect_dma semaphore(%arg7 : memref<!tpu.dma_semaphore, #tpu.memory_space<semaphore_mem>>) src(%dma_wait3A_462 : memref<21129x768xf32, #tpu.memory_space<hbm>>) dst(%arg6 : memref<128x768xf32, #tpu.memory_space<vmem>>)
    %dma_start3A_463 = arith.constant 33 : i32
    %dma_start3A_464 = arith.constant 0 : i32
    %dma_start3A_465 = tpu.memref_slice %arg5[%dma_start3A_463, %dma_start3A_464] : memref<40x128xi32, #tpu.memory_space<vmem>> -> memref<1x128xi32, #tpu.memory_space<vmem>>
    %dma_start3A_466 = tpu.memref_squeeze %dma_start3A_465 : memref<1x128xi32, #tpu.memory_space<vmem>> -> memref<128xi32, #tpu.memory_space<vmem>>
    %dma_start3A_467 = arith.constant 0 : i32
    %dma_start3A_468 = arith.constant 0 : i32
    %dma_start3A_469 = tpu.memref_slice %arg2[%dma_start3A_467, %dma_start3A_468] : memref<21129x768xf32, #tpu.memory_space<hbm>> -> memref<21129x768xf32, #tpu.memory_space<hbm>>
    tpu.enqueue_indirect_dma source(%dma_start3A_469 : memref<21129x768xf32, #tpu.memory_space<hbm>>) target(%arg6 : memref<128x768xf32, #tpu.memory_space<vmem>>) offsets(%dma_start3A_466 : memref<128xi32, #tpu.memory_space<vmem>>) semaphore(%arg7 : memref<!tpu.dma_semaphore, #tpu.memory_space<semaphore_mem>>) {add = true}
    %dma_wait3A_470 = arith.constant 33 : i32
    %dma_wait3A_471 = arith.constant 0 : i32
    %dma_wait3A_472 = tpu.memref_slice %arg5[%dma_wait3A_470, %dma_wait3A_471] : memref<40x128xi32, #tpu.memory_space<vmem>> -> memref<1x128xi32, #tpu.memory_space<vmem>>
    %dma_wait3A_473 = tpu.memref_squeeze %dma_wait3A_472 : memref<1x128xi32, #tpu.memory_space<vmem>> -> memref<128xi32, #tpu.memory_space<vmem>>
    %dma_wait3A_474 = arith.constant 0 : i32
    %dma_wait3A_475 = arith.constant 0 : i32
    %dma_wait3A_476 = tpu.memref_slice %arg2[%dma_wait3A_474, %dma_wait3A_475] : memref<21129x768xf32, #tpu.memory_space<hbm>> -> memref<21129x768xf32, #tpu.memory_space<hbm>>
    tpu.wait_indirect_dma semaphore(%arg7 : memref<!tpu.dma_semaphore, #tpu.memory_space<semaphore_mem>>) src(%dma_wait3A_476 : memref<21129x768xf32, #tpu.memory_space<hbm>>) dst(%arg6 : memref<128x768xf32, #tpu.memory_space<vmem>>)
    %dma_start3A_477 = arith.constant 34 : i32
    %dma_start3A_478 = arith.constant 0 : i32
    %dma_start3A_479 = tpu.memref_slice %arg5[%dma_start3A_477, %dma_start3A_478] : memref<40x128xi32, #tpu.memory_space<vmem>> -> memref<1x128xi32, #tpu.memory_space<vmem>>
    %dma_start3A_480 = tpu.memref_squeeze %dma_start3A_479 : memref<1x128xi32, #tpu.memory_space<vmem>> -> memref<128xi32, #tpu.memory_space<vmem>>
    %dma_start3A_481 = arith.constant 0 : i32
    %dma_start3A_482 = arith.constant 0 : i32
    %dma_start3A_483 = tpu.memref_slice %arg2[%dma_start3A_481, %dma_start3A_482] : memref<21129x768xf32, #tpu.memory_space<hbm>> -> memref<21129x768xf32, #tpu.memory_space<hbm>>
    tpu.enqueue_indirect_dma source(%dma_start3A_483 : memref<21129x768xf32, #tpu.memory_space<hbm>>) target(%arg6 : memref<128x768xf32, #tpu.memory_space<vmem>>) offsets(%dma_start3A_480 : memref<128xi32, #tpu.memory_space<vmem>>) semaphore(%arg7 : memref<!tpu.dma_semaphore, #tpu.memory_space<semaphore_mem>>) {add = true}
    %dma_wait3A_484 = arith.constant 34 : i32
    %dma_wait3A_485 = arith.constant 0 : i32
    %dma_wait3A_486 = tpu.memref_slice %arg5[%dma_wait3A_484, %dma_wait3A_485] : memref<40x128xi32, #tpu.memory_space<vmem>> -> memref<1x128xi32, #tpu.memory_space<vmem>>
    %dma_wait3A_487 = tpu.memref_squeeze %dma_wait3A_486 : memref<1x128xi32, #tpu.memory_space<vmem>> -> memref<128xi32, #tpu.memory_space<vmem>>
    %dma_wait3A_488 = arith.constant 0 : i32
    %dma_wait3A_489 = arith.constant 0 : i32
    %dma_wait3A_490 = tpu.memref_slice %arg2[%dma_wait3A_488, %dma_wait3A_489] : memref<21129x768xf32, #tpu.memory_space<hbm>> -> memref<21129x768xf32, #tpu.memory_space<hbm>>
    tpu.wait_indirect_dma semaphore(%arg7 : memref<!tpu.dma_semaphore, #tpu.memory_space<semaphore_mem>>) src(%dma_wait3A_490 : memref<21129x768xf32, #tpu.memory_space<hbm>>) dst(%arg6 : memref<128x768xf32, #tpu.memory_space<vmem>>)
    %dma_start3A_491 = arith.constant 35 : i32
    %dma_start3A_492 = arith.constant 0 : i32
    %dma_start3A_493 = tpu.memref_slice %arg5[%dma_start3A_491, %dma_start3A_492] : memref<40x128xi32, #tpu.memory_space<vmem>> -> memref<1x128xi32, #tpu.memory_space<vmem>>
    %dma_start3A_494 = tpu.memref_squeeze %dma_start3A_493 : memref<1x128xi32, #tpu.memory_space<vmem>> -> memref<128xi32, #tpu.memory_space<vmem>>
    %dma_start3A_495 = arith.constant 0 : i32
    %dma_start3A_496 = arith.constant 0 : i32
    %dma_start3A_497 = tpu.memref_slice %arg2[%dma_start3A_495, %dma_start3A_496] : memref<21129x768xf32, #tpu.memory_space<hbm>> -> memref<21129x768xf32, #tpu.memory_space<hbm>>
    tpu.enqueue_indirect_dma source(%dma_start3A_497 : memref<21129x768xf32, #tpu.memory_space<hbm>>) target(%arg6 : memref<128x768xf32, #tpu.memory_space<vmem>>) offsets(%dma_start3A_494 : memref<128xi32, #tpu.memory_space<vmem>>) semaphore(%arg7 : memref<!tpu.dma_semaphore, #tpu.memory_space<semaphore_mem>>) {add = true}
    %dma_wait3A_498 = arith.constant 35 : i32
    %dma_wait3A_499 = arith.constant 0 : i32
    %dma_wait3A_500 = tpu.memref_slice %arg5[%dma_wait3A_498, %dma_wait3A_499] : memref<40x128xi32, #tpu.memory_space<vmem>> -> memref<1x128xi32, #tpu.memory_space<vmem>>
    %dma_wait3A_501 = tpu.memref_squeeze %dma_wait3A_500 : memref<1x128xi32, #tpu.memory_space<vmem>> -> memref<128xi32, #tpu.memory_space<vmem>>
    %dma_wait3A_502 = arith.constant 0 : i32
    %dma_wait3A_503 = arith.constant 0 : i32
    %dma_wait3A_504 = tpu.memref_slice %arg2[%dma_wait3A_502, %dma_wait3A_503] : memref<21129x768xf32, #tpu.memory_space<hbm>> -> memref<21129x768xf32, #tpu.memory_space<hbm>>
    tpu.wait_indirect_dma semaphore(%arg7 : memref<!tpu.dma_semaphore, #tpu.memory_space<semaphore_mem>>) src(%dma_wait3A_504 : memref<21129x768xf32, #tpu.memory_space<hbm>>) dst(%arg6 : memref<128x768xf32, #tpu.memory_space<vmem>>)
    %dma_start3A_505 = arith.constant 36 : i32
    %dma_start3A_506 = arith.constant 0 : i32
    %dma_start3A_507 = tpu.memref_slice %arg5[%dma_start3A_505, %dma_start3A_506] : memref<40x128xi32, #tpu.memory_space<vmem>> -> memref<1x128xi32, #tpu.memory_space<vmem>>
    %dma_start3A_508 = tpu.memref_squeeze %dma_start3A_507 : memref<1x128xi32, #tpu.memory_space<vmem>> -> memref<128xi32, #tpu.memory_space<vmem>>
    %dma_start3A_509 = arith.constant 0 : i32
    %dma_start3A_510 = arith.constant 0 : i32
    %dma_start3A_511 = tpu.memref_slice %arg2[%dma_start3A_509, %dma_start3A_510] : memref<21129x768xf32, #tpu.memory_space<hbm>> -> memref<21129x768xf32, #tpu.memory_space<hbm>>
    tpu.enqueue_indirect_dma source(%dma_start3A_511 : memref<21129x768xf32, #tpu.memory_space<hbm>>) target(%arg6 : memref<128x768xf32, #tpu.memory_space<vmem>>) offsets(%dma_start3A_508 : memref<128xi32, #tpu.memory_space<vmem>>) semaphore(%arg7 : memref<!tpu.dma_semaphore, #tpu.memory_space<semaphore_mem>>) {add = true}
    %dma_wait3A_512 = arith.constant 36 : i32
    %dma_wait3A_513 = arith.constant 0 : i32
    %dma_wait3A_514 = tpu.memref_slice %arg5[%dma_wait3A_512, %dma_wait3A_513] : memref<40x128xi32, #tpu.memory_space<vmem>> -> memref<1x128xi32, #tpu.memory_space<vmem>>
    %dma_wait3A_515 = tpu.memref_squeeze %dma_wait3A_514 : memref<1x128xi32, #tpu.memory_space<vmem>> -> memref<128xi32, #tpu.memory_space<vmem>>
    %dma_wait3A_516 = arith.constant 0 : i32
    %dma_wait3A_517 = arith.constant 0 : i32
    %dma_wait3A_518 = tpu.memref_slice %arg2[%dma_wait3A_516, %dma_wait3A_517] : memref<21129x768xf32, #tpu.memory_space<hbm>> -> memref<21129x768xf32, #tpu.memory_space<hbm>>
    tpu.wait_indirect_dma semaphore(%arg7 : memref<!tpu.dma_semaphore, #tpu.memory_space<semaphore_mem>>) src(%dma_wait3A_518 : memref<21129x768xf32, #tpu.memory_space<hbm>>) dst(%arg6 : memref<128x768xf32, #tpu.memory_space<vmem>>)
    %dma_start3A_519 = arith.constant 37 : i32
    %dma_start3A_520 = arith.constant 0 : i32
    %dma_start3A_521 = tpu.memref_slice %arg5[%dma_start3A_519, %dma_start3A_520] : memref<40x128xi32, #tpu.memory_space<vmem>> -> memref<1x128xi32, #tpu.memory_space<vmem>>
    %dma_start3A_522 = tpu.memref_squeeze %dma_start3A_521 : memref<1x128xi32, #tpu.memory_space<vmem>> -> memref<128xi32, #tpu.memory_space<vmem>>
    %dma_start3A_523 = arith.constant 0 : i32
    %dma_start3A_524 = arith.constant 0 : i32
    %dma_start3A_525 = tpu.memref_slice %arg2[%dma_start3A_523, %dma_start3A_524] : memref<21129x768xf32, #tpu.memory_space<hbm>> -> memref<21129x768xf32, #tpu.memory_space<hbm>>
    tpu.enqueue_indirect_dma source(%dma_start3A_525 : memref<21129x768xf32, #tpu.memory_space<hbm>>) target(%arg6 : memref<128x768xf32, #tpu.memory_space<vmem>>) offsets(%dma_start3A_522 : memref<128xi32, #tpu.memory_space<vmem>>) semaphore(%arg7 : memref<!tpu.dma_semaphore, #tpu.memory_space<semaphore_mem>>) {add = true}
    %dma_wait3A_526 = arith.constant 37 : i32
    %dma_wait3A_527 = arith.constant 0 : i32
    %dma_wait3A_528 = tpu.memref_slice %arg5[%dma_wait3A_526, %dma_wait3A_527] : memref<40x128xi32, #tpu.memory_space<vmem>> -> memref<1x128xi32, #tpu.memory_space<vmem>>
    %dma_wait3A_529 = tpu.memref_squeeze %dma_wait3A_528 : memref<1x128xi32, #tpu.memory_space<vmem>> -> memref<128xi32, #tpu.memory_space<vmem>>
    %dma_wait3A_530 = arith.constant 0 : i32
    %dma_wait3A_531 = arith.constant 0 : i32
    %dma_wait3A_532 = tpu.memref_slice %arg2[%dma_wait3A_530, %dma_wait3A_531] : memref<21129x768xf32, #tpu.memory_space<hbm>> -> memref<21129x768xf32, #tpu.memory_space<hbm>>
    tpu.wait_indirect_dma semaphore(%arg7 : memref<!tpu.dma_semaphore, #tpu.memory_space<semaphore_mem>>) src(%dma_wait3A_532 : memref<21129x768xf32, #tpu.memory_space<hbm>>) dst(%arg6 : memref<128x768xf32, #tpu.memory_space<vmem>>)
    %dma_start3A_533 = arith.constant 38 : i32
    %dma_start3A_534 = arith.constant 0 : i32
    %dma_start3A_535 = tpu.memref_slice %arg5[%dma_start3A_533, %dma_start3A_534] : memref<40x128xi32, #tpu.memory_space<vmem>> -> memref<1x128xi32, #tpu.memory_space<vmem>>
    %dma_start3A_536 = tpu.memref_squeeze %dma_start3A_535 : memref<1x128xi32, #tpu.memory_space<vmem>> -> memref<128xi32, #tpu.memory_space<vmem>>
    %dma_start3A_537 = arith.constant 0 : i32
    %dma_start3A_538 = arith.constant 0 : i32
    %dma_start3A_539 = tpu.memref_slice %arg2[%dma_start3A_537, %dma_start3A_538] : memref<21129x768xf32, #tpu.memory_space<hbm>> -> memref<21129x768xf32, #tpu.memory_space<hbm>>
    tpu.enqueue_indirect_dma source(%dma_start3A_539 : memref<21129x768xf32, #tpu.memory_space<hbm>>) target(%arg6 : memref<128x768xf32, #tpu.memory_space<vmem>>) offsets(%dma_start3A_536 : memref<128xi32, #tpu.memory_space<vmem>>) semaphore(%arg7 : memref<!tpu.dma_semaphore, #tpu.memory_space<semaphore_mem>>) {add = true}
    %dma_wait3A_540 = arith.constant 38 : i32
    %dma_wait3A_541 = arith.constant 0 : i32
    %dma_wait3A_542 = tpu.memref_slice %arg5[%dma_wait3A_540, %dma_wait3A_541] : memref<40x128xi32, #tpu.memory_space<vmem>> -> memref<1x128xi32, #tpu.memory_space<vmem>>
    %dma_wait3A_543 = tpu.memref_squeeze %dma_wait3A_542 : memref<1x128xi32, #tpu.memory_space<vmem>> -> memref<128xi32, #tpu.memory_space<vmem>>
    %dma_wait3A_544 = arith.constant 0 : i32
    %dma_wait3A_545 = arith.constant 0 : i32
    %dma_wait3A_546 = tpu.memref_slice %arg2[%dma_wait3A_544, %dma_wait3A_545] : memref<21129x768xf32, #tpu.memory_space<hbm>> -> memref<21129x768xf32, #tpu.memory_space<hbm>>
    tpu.wait_indirect_dma semaphore(%arg7 : memref<!tpu.dma_semaphore, #tpu.memory_space<semaphore_mem>>) src(%dma_wait3A_546 : memref<21129x768xf32, #tpu.memory_space<hbm>>) dst(%arg6 : memref<128x768xf32, #tpu.memory_space<vmem>>)
    %dma_start3A_547 = arith.constant 39 : i32
    %dma_start3A_548 = arith.constant 0 : i32
    %dma_start3A_549 = tpu.memref_slice %arg5[%dma_start3A_547, %dma_start3A_548] : memref<40x128xi32, #tpu.memory_space<vmem>> -> memref<1x128xi32, #tpu.memory_space<vmem>>
    %dma_start3A_550 = tpu.memref_squeeze %dma_start3A_549 : memref<1x128xi32, #tpu.memory_space<vmem>> -> memref<128xi32, #tpu.memory_space<vmem>>
    %dma_start3A_551 = arith.constant 0 : i32
    %dma_start3A_552 = arith.constant 0 : i32
    %dma_start3A_553 = tpu.memref_slice %arg2[%dma_start3A_551, %dma_start3A_552] : memref<21129x768xf32, #tpu.memory_space<hbm>> -> memref<21129x768xf32, #tpu.memory_space<hbm>>
    tpu.enqueue_indirect_dma source(%dma_start3A_553 : memref<21129x768xf32, #tpu.memory_space<hbm>>) target(%arg6 : memref<128x768xf32, #tpu.memory_space<vmem>>) offsets(%dma_start3A_550 : memref<128xi32, #tpu.memory_space<vmem>>) semaphore(%arg7 : memref<!tpu.dma_semaphore, #tpu.memory_space<semaphore_mem>>) {add = true}
    %dma_wait3A_554 = arith.constant 39 : i32
    %dma_wait3A_555 = arith.constant 0 : i32
    %dma_wait3A_556 = tpu.memref_slice %arg5[%dma_wait3A_554, %dma_wait3A_555] : memref<40x128xi32, #tpu.memory_space<vmem>> -> memref<1x128xi32, #tpu.memory_space<vmem>>
    %dma_wait3A_557 = tpu.memref_squeeze %dma_wait3A_556 : memref<1x128xi32, #tpu.memory_space<vmem>> -> memref<128xi32, #tpu.memory_space<vmem>>
    %dma_wait3A_558 = arith.constant 0 : i32
    %dma_wait3A_559 = arith.constant 0 : i32
    %dma_wait3A_560 = tpu.memref_slice %arg2[%dma_wait3A_558, %dma_wait3A_559] : memref<21129x768xf32, #tpu.memory_space<hbm>> -> memref<21129x768xf32, #tpu.memory_space<hbm>>
    tpu.wait_indirect_dma semaphore(%arg7 : memref<!tpu.dma_semaphore, #tpu.memory_space<semaphore_mem>>) src(%dma_wait3A_560 : memref<21129x768xf32, #tpu.memory_space<hbm>>) dst(%arg6 : memref<128x768xf32, #tpu.memory_space<vmem>>)
    %mul3A_561 = arith.constant 128 : i32
    %mul3A_562 = arith.muli %add3A, %mul3A_561 : i32
    "tpu.region"() ({
      %run_scoped3A = tpu.sem_alloc : memref<!tpu.dma_semaphore, #tpu.memory_space<semaphore_mem>>
      %dma_start3A_563 = arith.constant 0 : i32
      %dma_start3A_564 = tpu.memref_slice %arg4[%mul3A_562, %dma_start3A_563] : memref<4096x768xf32, #tpu.memory_space<hbm>> -> memref<128x768xf32, #tpu.memory_space<hbm>>
      %dma_start3A_565 = arith.constant 0 : i32
      %dma_start3A_566 = tpu.memref_slice %arg4[%mul3A_562, %dma_start3A_565] : memref<4096x768xf32, #tpu.memory_space<hbm>> -> memref<128x768xf32, #tpu.memory_space<hbm>>
      tpu.enqueue_dma source(%arg6 : memref<128x768xf32, #tpu.memory_space<vmem>>) target(%dma_start3A_566 : memref<128x768xf32, #tpu.memory_space<hbm>>) target_semaphore(%run_scoped3A : memref<!tpu.dma_semaphore, #tpu.memory_space<semaphore_mem>>)
      %dma_wait3A_567 = arith.constant 0 : i32
      %dma_wait3A_568 = tpu.memref_slice %arg4[%mul3A_562, %dma_wait3A_567] : memref<4096x768xf32, #tpu.memory_space<hbm>> -> memref<128x768xf32, #tpu.memory_space<hbm>>
      %dma_wait3A_569 = arith.constant 0 : i32
      %dma_wait3A_570 = tpu.memref_slice %arg4[%mul3A_562, %dma_wait3A_569] : memref<4096x768xf32, #tpu.memory_space<hbm>> -> memref<128x768xf32, #tpu.memory_space<hbm>>
      tpu.wait_dma2 semaphore(%run_scoped3A : memref<!tpu.dma_semaphore, #tpu.memory_space<semaphore_mem>>) src(%arg6 : memref<128x768xf32, #tpu.memory_space<vmem>>) dst(%dma_wait3A_570 : memref<128x768xf32, #tpu.memory_space<hbm>>)
      tpu.yield
    }) : () -> ()
    return
  }
}

module attributes {stable_mosaic.version = 14 : i64} {
  func.func @_tc_head_body(%arg0: i32, %arg1: memref<512x768xf32, #tpu.memory_space<vmem>>, %arg2: memref<16x768xf32, #tpu.memory_space<vmem>>, %arg3: memref<1x16xf32, #tpu.memory_space<vmem>>, %arg4: memref<512xi32, #tpu.memory_space<vmem>>) attributes {dimension_semantics = [#tpu.dimension_semantics<arbitrary>], iteration_bounds = array<i64: 8>, scalar_prefetch = 0 : i64, scratch_operands = 0 : i64, tpu.core_type = #tpu.core_type<tc>, window_params = [{transform_indices = @transform_0, window_bounds = array<i64: 512, 768>}, {pipeline_mode = #tpu.pipeline_mode<synchronous>, transform_indices = @transform_1, window_bounds = array<i64: 16, 768>}, {pipeline_mode = #tpu.pipeline_mode<synchronous>, transform_indices = @transform_2, window_bounds = array<i64: 1, 16>}, {transform_indices = @transform_3, window_bounds = array<i64: 512>}]} {
    %get3A = arith.constant 0 : index
    %get3A_0 = arith.constant 0 : index
    %get3A_1 = vector.load %arg1[%get3A, %get3A_0] : memref<512x768xf32, #tpu.memory_space<vmem>>, vector<512x768xf32>
    %div3A = arith.constant 4.000000e+01 : f32
    %div3A_2 = vector.broadcast %div3A : f32 to vector<512x768xf32>
    %div3A_3 = arith.divf %get3A_1, %div3A_2 : vector<512x768xf32>
    %convert_element_type3A = arith.truncf %div3A_3 : vector<512x768xf32> to vector<512x768xbf16>
    %get3A_4 = arith.constant 0 : index
    %get3A_5 = arith.constant 0 : index
    %get3A_6 = vector.load %arg2[%get3A_4, %get3A_5] : memref<16x768xf32, #tpu.memory_space<vmem>>, vector<16x768xf32>
    %convert_element_type3A_7 = arith.truncf %get3A_6 : vector<16x768xf32> to vector<16x768xbf16>
    %dot_general3A = arith.constant dense<0.000000e+00> : vector<512x16xf32>
    %dot_general3A_8 = tpu.matmul %convert_element_type3A, %convert_element_type3A_7, %dot_general3A {dimension_numbers = #tpu.dot_dimension_numbers<[1], [1], [0], [0], [0, 0, 1, 0], [], []>, transpose_lhs_hint = false} : vector<512x768xbf16>, vector<16x768xbf16>, vector<512x16xf32> -> vector<512x16xf32>
    %get3A_9 = arith.constant 0 : index
    %get3A_10 = arith.constant 0 : index
    %get3A_11 = vector.load %arg3[%get3A_9, %get3A_10] : memref<1x16xf32, #tpu.memory_space<vmem>>, vector<1x16xf32>
    %add3A = vector.broadcast %get3A_11 : vector<1x16xf32> to vector<512x16xf32>
    %add3A_12 = arith.addf %dot_general3A_8, %add3A : vector<512x16xf32>
    %reduce_max3A = arith.constant dense<0xFF800000> : vector<512xf32>
    %reduce_max3A_13 = vector.multi_reduction <maximumf>, %add3A_12, %reduce_max3A [1] : vector<512x16xf32> to vector<512xf32>
    %broadcast_in_dim3A = vector.shape_cast %reduce_max3A_13 : vector<512xf32> to vector<512x1xf32>
    %sub3A = vector.broadcast %broadcast_in_dim3A : vector<512x1xf32> to vector<512x16xf32>
    %sub3A_14 = arith.subf %add3A_12, %sub3A : vector<512x16xf32>
    %exp3A = math.exp %sub3A_14 : vector<512x16xf32>
    %reduce_sum3A = arith.constant dense<0.000000e+00> : vector<512xf32>
    %reduce_sum3A_15 = vector.multi_reduction <add>, %exp3A, %reduce_sum3A [1] : vector<512x16xf32> to vector<512xf32>
    %broadcast_in_dim3A_16 = vector.shape_cast %reduce_sum3A_15 : vector<512xf32> to vector<512x1xf32>
    %div3A_17 = vector.broadcast %broadcast_in_dim3A_16 : vector<512x1xf32> to vector<512x16xf32>
    %div3A_18 = arith.divf %exp3A, %div3A_17 : vector<512x16xf32>
    %reduce_max3A_19 = arith.constant dense<0xFF800000> : vector<512xf32>
    %reduce_max3A_20 = vector.multi_reduction <maximumf>, %div3A_18, %reduce_max3A_19 [1] : vector<512x16xf32> to vector<512xf32>
    %broadcast_in_dim3A_21 = vector.shape_cast %reduce_max3A_20 : vector<512xf32> to vector<512x1xf32>
    %iota3A = tpu.iota {dimensions = array<i32: 1>} : vector<512x16xi32>
    %eq3A = vector.broadcast %broadcast_in_dim3A_21 : vector<512x1xf32> to vector<512x16xf32>
    %eq3A_22 = arith.cmpf oeq, %div3A_18, %eq3A : vector<512x16xf32>
    %jit3A = arith.constant 16 : i32
    %broadcast_in_dim3A_23 = vector.broadcast %jit3A : i32 to vector<512x16xi32>
    %select_n3A = arith.select %eq3A_22, %iota3A, %broadcast_in_dim3A_23 : vector<512x16xi1>, vector<512x16xi32>
    %reduce_min3A = arith.constant dense<2147483647> : vector<512xi32>
    %reduce_min3A_24 = vector.multi_reduction <minsi>, %select_n3A, %reduce_min3A [1] : vector<512x16xi32> to vector<512xi32>
    %swap3A = arith.constant 0 : index
    %swap3A_25 = vector.load %arg4[%swap3A] : memref<512xi32, #tpu.memory_space<vmem>>, vector<512xi32>
    tpu.vector_store %arg4[%swap3A], %reduce_min3A_24 {strides = array<i32>} : memref<512xi32, #tpu.memory_space<vmem>>, vector<512xi32>,
    return
  }
  func.func @transform_0(%arg0: i32) -> (i32, i32) {
    %c0_i32 = arith.constant 0 : i32
    %c0_i32_0 = arith.constant 0 : i32
    return %arg0, %c0_i32 : i32, i32
  }
  func.func @transform_1(%arg0: i32) -> (i32, i32) {
    %c0_i32 = arith.constant 0 : i32
    %c0_i32_0 = arith.constant 0 : i32
    %c0_i32_1 = arith.constant 0 : i32
    return %c0_i32, %c0_i32_0 : i32, i32
  }
  func.func @transform_2(%arg0: i32) -> (i32, i32) {
    %c0_i32 = arith.constant 0 : i32
    %c0_i32_0 = arith.constant 0 : i32
    %c0_i32_1 = arith.constant 0 : i32
    return %c0_i32, %c0_i32_0 : i32, i32
  }
  func.func @transform_3(%arg0: i32) -> i32 {
    %c0_i32 = arith.constant 0 : i32
    return %arg0 : i32
  }
}

</mosaic_0001>

<sc_bundles>
// kernel: kernel.4.cloned.1.call-start
scs
__scs_entry_jumppad:
0x0: {  	(pc) =	sbr.rel $0x88, $3  }
0x1: {  	(tag) =	ssettag $0x0;
	lr =	simm.s32 $0x1  }
0x2: {  	[smem:$0x3F9D] =	sst lr;
	_ =	strace $0xD0000000  }
0x3: {  	_ = 	snop  }
0x4: {  	_ = 	snop  }
0x5: {  	_ = 	snop  }
0x6: {  	_ = 	snop  }
0x7: {  	_ = 	snop  }
__scs_overlays_trampoline_lowered:
0x8: {  	[smem:$0x3FAC] =	sst s0  }
0x9: {  	[smem:$0x3FAD] =	sst s1  }
0xa: {  	[smem:$0x3FAE] =	sst s2  }
0xb: {  	[smem:$0x3FAF] =	sst s3  }
0xc: {  	[smem:$0x3FB0] =	sst s4  }
0xd: {  	[smem:$0x3FB1] =	sst s5  }
0xe: {  	[smem:$0x3FB2] =	sst s6  }
0xf: {  	[smem:$0x3FB3] =	sst s7  }
0x10: {  	[smem:$0x3FB4] =	sst s8  }
0x11: {  	[smem:$0x3FB5] =	sst s9;
	s0 =	simm.s32 @!p0 $0x0  }
0x12: {  	s1 =	sld [smem:$0x3F9B];
	s0 =	simm.s32 @p0 $0x1  }
0x13: {  	[smem:$0x3FB6] =	sst s0;
	s0 =	simm.s32 @!p1 $0x0  }
0x14: {  	s2 =	sld [smem:$0x3F9A];
	s0 =	simm.s32 @p1 $0x1  }
0x15: {  	[smem:$0x3FB7] =	sst s0;
	s0 =	simm.s32 @!p2 $0x0  }
0x16: {  	s3 =	sld [smem:$0x3FDB];
	s0 =	simm.s32 @p2 $0x1  }
0x17: {  	s4 =	simm.s32 $0x1BF5;
	[smem:$0x3FB9] =	sst s0  }
0x18: {  	s0 =	sld [smem:$0x3F9C];
	_ =	swait.ge [sflag:s4], $0x0  }
0x19: {  	s7 =	sld [smem:$0x3F9D]  }
0x1a: {  	s8 =	sadd.s32 $0xFFFFE003, lr  }
0x1b: {  	s9 =	sadd.s32 $0xFFFFFEF7, lr;
	s5 =	simm.s32 $0xFFFFFFFF;
	p2 =	slt.u32 s8, $0xFFFFF086  }
0x1c: {  	p1 =	slt.u32 s9, $0xF7A;
	s5 =	simm.s32 @!p2 $0x0  }
0x1d: {  	s5 =	simm.s32 @p1 $0x1;
	p0 =	seq.s32 s7, s2  }
0x1e: {  	s7 =	smul.u32 @!p0 $0xF7A, s2;
	p2 =	seq.s32 @!p0 s5, $0x0  }
0x1f: {  	s9 =	smul.u32 $0xF7A, s1;
	s8 =	simm.s32 @!p0 $0x1BF5;
	p2 =	por !p2, p0  }
0x20: {  	[sflag:s8] =	ssyncset.s32 @!p0 $0xFFFFF086;
	s6 =	sadd.s32 @!p0 s3, s7;
	s7 =	simm.s32 @!p0 $0x108  }
0x21: {  	s3 =	sadd.s32 s3, s9;
	s6 =	sadd.s32 @!p0 $0x88, s6;
	s7 =	simm.s32 @p2 $0x1082  }
0x22: {  	[simem:s7], [sflag:s8] =	dma.local @!p0 [hbm:s6], $0xF7A  }
0x23: {  	s9 =	sor.u32 $0xD0000000, s2;
	s6 =	simm.s32 $0x108;
	_ =	swait.ge @!p0 [sflag:s8], $0x0  }
0x24: {  	s3 =	sadd.s32 $0x88, s3;
	s6 =	simm.s32 @!p1 $0x1082;
	[sflag:s4] =	ssyncset.s32 $0xFFFFF086  }
0x25: {  	[simem:s6], [sflag:s4] =	dma.local [hbm:s3], $0xF7A  }
0x26: {  	[smem:$0x3F9D] =	sst s1;
	(tag) =	ssettag s2;
	_ =	strace s9  }
0x27: {  	s1 =	sld [smem:$0x3FAD]  }
0x28: {  	s2 =	sld [smem:$0x3FAE]  }
0x29: {  	s4 =	sld [smem:$0x3FB0]  }
0x2a: {  	p0 =	seq.s32 s5, $0x0;
	s5 =	sld [smem:$0x3FB1]  }
0x2b: {  	s6 =	sld [smem:$0x3FB2]  }
0x2c: {  	s7 =	sld [smem:$0x3FB3]  }
0x2d: {  	s3 =	simm.s32 $0x108;
	s8 =	sld [smem:$0x3FB4]  }
0x2e: {  	s3 =	simm.s32 @!p0 $0x1082;
	s9 =	sld [smem:$0x3FB5]  }
0x2f: {  	lr =	sadd.s32 s0, s3;
	s0 =	sld [smem:$0x3FAC]  }
0x30: {  	s3 =	sld [smem:$0x3FAF]  }
0x31: {  	[smem:$0x3FB8] =	sst s10  }
0x32: {  	s10 =	sld [smem:$0x3FB6];
	_ =	sdelay $0x3  }
0x33: {  	p0 =	seq.s32 s10, $0x1;
	s10 =	sld [smem:$0x3FB8];
	_ =	sdelay $0x3  }
0x34: {  	[smem:$0x3FB8] =	sst s10  }
0x35: {  	s10 =	sld [smem:$0x3FB7];
	_ =	sdelay $0x3  }
0x36: {  	p1 =	seq.s32 s10, $0x1;
	s10 =	sld [smem:$0x3FB8];
	_ =	sdelay $0x3  }
0x37: {  	[smem:$0x3FB8] =	sst s10  }
0x38: {  	s10 =	sld [smem:$0x3FB9]  }
0x39: {  	_ = 	snop;
	(pc) =	sbr.ind lr, $3  }
0x3a: {  	_ = 	snop  }
0x3b: {  	_ = 	snop  }
0x3c: {  	p2 =	seq.s32 s10, $0x1;
	s10 =	sld [smem:$0x3FB8]  }
0x3d: {  	_ =	shalt  }
0x3e: {  	_ =	shalt  }
0x3f: {  	_ =	shalt  }
0x40: {  	_ =	shalt  }
0x41: {  	_ =	shalt  }
0x42: {  	_ =	shalt  }
0x43: {  	_ =	shalt  }
0x44: {  	_ =	shalt  }
0x45: {  	_ =	shalt  }
0x46: {  	_ =	shalt  }
0x47: {  	_ =	shalt  }
0x48: {  	_ =	shalt  }
0x49: {  	_ =	shalt  }
0x4a: {  	_ =	shalt  }
0x4b: {  	_ =	shalt  }
0x4c: {  	_ =	shalt  }
0x4d: {  	_ =	shalt  }
0x4e: {  	_ =	shalt  }
0x4f: {  	_ =	shalt  }
0x50: {  	_ =	shalt  }
0x51: {  	_ =	shalt  }
0x52: {  	_ =	shalt  }
0x53: {  	_ =	shalt  }
0x54: {  	_ =	shalt  }
0x55: {  	_ =	shalt  }
0x56: {  	_ =	shalt  }
0x57: {  	_ =	shalt  }
0x58: {  	_ =	shalt  }
0x59: {  	_ =	shalt  }
0x5a: {  	_ =	shalt  }
0x5b: {  	_ =	shalt  }
0x5c: {  	_ =	shalt  }
0x5d: {  	_ =	shalt  }
0x5e: {  	_ =	shalt  }
0x5f: {  	_ =	shalt  }
0x60: {  	_ =	shalt  }
0x61: {  	_ =	shalt  }
0x62: {  	_ =	shalt  }
0x63: {  	_ =	shalt  }
0x64: {  	_ =	shalt  }
0x65: {  	_ =	shalt  }
0x66: {  	_ =	shalt  }
0x67: {  	_ =	shalt  }
0x68: {  	_ =	shalt  }
0x69: {  	_ =	shalt  }
0x6a: {  	_ =	shalt  }
0x6b: {  	_ =	shalt  }
0x6c: {  	_ =	shalt  }
0x6d: {  	_ =	shalt  }
0x6e: {  	_ =	shalt  }
0x6f: {  	_ =	shalt  }
0x70: {  	_ =	shalt  }
0x71: {  	_ =	shalt  }
0x72: {  	_ =	shalt  }
0x73: {  	_ =	shalt  }
0x74: {  	_ =	shalt  }
0x75: {  	_ =	shalt  }
0x76: {  	_ =	shalt  }
0x77: {  	_ =	shalt  }
0x78: {  	_ =	shalt  }
0x79: {  	_ =	shalt  }
0x7a: {  	_ =	shalt  }
0x7b: {  	_ =	shalt  }
0x7c: {  	_ =	shalt  }
0x7d: {  	_ =	shalt  }
0x7e: {  	_ =	shalt  }
0x7f: {  	_ =	shalt  }
0x80: {  	_ =	shalt  }
0x81: {  	_ =	shalt  }
0x82: {  	_ =	shalt  }
0x83: {  	_ =	shalt  }
0x84: {  	_ =	shalt  }
0x85: {  	_ =	shalt  }
0x86: {  	_ =	shalt  }
0x87: {  	_ =	shalt  }
.Lfunc_end0:
.L_simem_size_0:
called_computation_lowered:
.L_overlay_start_0:
0x88: {  	s2 =	sld [smem:$0x3FD9]  }
0x89: {  	s3 =	sld [smem:$0x3FFE];
	_ =	sdelay $0x1  }
0x8a: {  	s1 =	srdreg.scid  }
0x8b: {  	s0 =	sand.u32 $0x1, s1  }
0x8c: {  	s16 =	sshll.u32 s0, $0xA;
	s2 =	sadd.s32 s3, s2  }
0x8d: {  	s2 =	sadd.s32 s2, s16  }
0x8e: {  	[smem:$0x3FC4] =	sst s2  }
0x8f: {  	_ = 	snop  }
0x90: {  	(tm) =	ssettm $0x1  }
0x91: {  	s17 =	sld [smem:$0x3FFB];
	_ =	sdelay $0x3  }
0x92: {  	_ =	strace s17  }
0x93: {  	s2 =	sld [smem:$0x3FFC];
	_ =	sdelay $0x3  }
0x94: {  	_ =	strace s2  }
0x95: {  	s2 =	sld [smem:$0x3FFD];
	_ =	sdelay $0x3  }
0x96: {  	_ =	strace s2  }
0x97: {  	_ =	strace $0x8FFFFFFF  }
0x98: {  	s18 =	sld [smem:$0x3FDB];
	_ =	sdelay $0x1  }
0x99: {  	s19 =	simm.s32 $_scs_section_size  }
0x9a: {  	s4 =	simm.s32 $_size__tile_overlayer_lowered;
	s5 =	simm.s32 $_tile_overlayer_lowered  }
0x9b: {  	s22 =	simm.s32 $0x1BFF;
	s21 =	sshll.u32 s5, $0x1;
	s2 =	sadd.s32 s19, s18  }
0x9c: {  	s6 =	simm.s32 $0x0;
	s20 =	sshll.u32 s4, $0x1;
	s4 =	sadd.s32 s21, s2  }
0x9d: {  	[timem:s6], [sflag:s22] =	dma.local [hbm:s4], s20  }
0x9e: {  	_ =	swait.ge [sflag:s22], s20  }
0x9f: {  	s3 =	ssub.s32 $0x0, s20;
	[sflag:s22] =	ssyncset.done $0x0  }
0xa0: {  	[sflag:s22] =	ssyncadd.s32 s3;
	_ =	sdelay $0x1  }
0xa1: {  	s23 =	simm.s32 $0x1B8B  }
0xa2: {  	_ =	swait.ge [sflag:s23], $0x1  }
0xa3: {  	[sflag:s23] =	ssyncset.done $0x0  }
0xa4: {  	s25 =	simm.s32 $0x1B8E;
	s24 =	sld [smem:$0x3FFE];
	[sflag:s23] =	ssyncadd.s32 $0xFFFFFFFF  }
0xa5: {  	s26 =	simm.s32 $execute0_lowered;
	[smem:$0x3FD2] =	sst s25  }
0xa6: {  	s4 =	sshll.u32 s26, $0x1;
	_ =	strace $0x80000046;
	[dreg:$0x1] =	wrdreg $0xFFFFFFFF  }
0xa7: {  	s28 =	simm.s32 $_size_execute0_lowered;
	s2 =	sadd.s32 s2, s4;
	[dreg:$0x0] =	wrdreg $0x0  }
0xa8: {  	s4 =	sshll.u32 s28, $0x1;
	[dreg:$0x2] =	wrdreg s2  }
0xa9: {  	[dreg:$0x3] =	wrdreg s4  }
0xaa: {  	[dreg:$0x4] =	wrdreg $0xC0  }
0xab: {  	_ =	task [dreg:s6], $0x5FFFF  }
0xac: {  	[dreg:$0x1] =	wrdreg $0xFFFFFFFF  }
0xad: {  	[dreg:$0x0] =	wrdreg $0x60  }
0xae: {  	[dreg:$0x2] =	wrdreg s24  }
0xaf: {  	[dreg:$0x3] =	wrdreg $0x9  }
0xb0: {  	_ =	task.clear_ibuf [dreg:s6], $0x4FFFF;
	_ =	strace $0x90000046  }
0xb1: {  	s29 =	simm.s32 $0x9;
	_ =	strace $0x80000048  }
0xb2: {  	_ =	swait.ge [sflag:s29], $0x1  }
0xb3: {  	[sflag:s29] =	ssyncadd.s32 $0xFFFFFFFF  }
0xb4: {  	_ =	strace $0x90000048  }
0xb5: {  	_ =	sfence  }
0xb6: {  	s30 =	sld [smem:$0x0];
	_ =	sdelay $0x2  }
0xb7: {  	s31 =	sshll.u32 s1, $0xD;
	s1 =	sshrl.u32 s1, $0x2  }
0xb8: {  	s3 =	sand.u32 $0x4000, s31;
	s1 =	sadd.s32 s1, s30  }
0xb9: {  	s0 =	sor.u32 s3, s0;
	s1 =	sshll.u32 s1, $0x11  }
0xba: {  	s0 =	sor.u32 s1, s0  }
0xbb: {  	s0 =	sadd.s32 $0x8F2B, s0  }
0xbc: {  	[sflag:s0] =	ssyncadd.remote.s32 $0x1  }
0xbd: {  	_ =	sfence.sel $0xFFFF  }
0xbe: {  	[dreg:$0x0] =	wrdreg $0xFFFFFFFF;
	(pc) =	sbr.abs _section_cstart, $3  }
0xbf: {  	[dreg:$0x1] =	wrdreg $0xFFFFFFFF  }
0xc0: {  	_ =	task.clear_ibuf [dreg:s6], $0x2FFFF;
	_ =	strace $0x9FFFFFFF  }
0xc1: {  	(tm) =	ssettm $0x7FFFFFFF  }
tec
execute0_lowered:
.L_overlay_start_1:
0x0: {  	(tag) =	ssettag $0x1  }
0x1: {  	s1 =	srdreg.scid;
	s0 =	stileid.u32  }
0x2: {  	s1 =	sand.u32 $0x1, s1;
	s2 =	sshll.u32 s0, $0x1  }
0x3: {  	s4 =	rddreg [dreg:$0x0];
	s3 =	sor.u32 s1, s2;
	s2 =	simm.s32 $0x0  }
0x4: {  	s22 =	simm.s32 $0x100;
	[smem:$0x7FF] =	sst s2  }
0x5: {  	s23 =	simm.s32 $0x180;
	_ =	strace $0x80000047;
	[dreg:$0x4] =	wrdreg s22  }
0x6: {  	s24 =	simm.s32 $0x200;
	[dreg:$0x5] =	wrdreg s23  }
0x7: {  	s25 =	simm.s32 $0x280;
	[dreg:$0x6] =	wrdreg s24  }
0x8: {  	s26 =	simm.s32 $0x300;
	[dreg:$0x7] =	wrdreg s25  }
0x9: {  	s0 =	simm.s32 $0x380;
	[dreg:$0x8] =	wrdreg s26  }
0xa: {  	s6 =	simm.s32 $0x480;
	[dreg:$0x9] =	wrdreg s0  }
0xb: {  	s7 =	simm.s32 $0x500;
	[dreg:$0xb] =	wrdreg s6  }
0xc: {  	s8 =	simm.s32 $0x580;
	[dreg:$0xc] =	wrdreg s7  }
0xd: {  	s9 =	simm.s32 $0x600;
	[dreg:$0xd] =	wrdreg s8  }
0xe: {  	s10 =	simm.s32 $0x680;
	[dreg:$0xe] =	wrdreg s9  }
0xf: {  	s11 =	simm.s32 $0x700;
	s5 =	smul.u32 $0x280, s3;
	[dreg:$0xf] =	wrdreg s10  }
0x10: {  	s12 =	simm.s32 $0x780;
	s3 =	smul.u32 $0x3000, s3;
	[dreg:$0x10] =	wrdreg s11  }
0x11: {  	[dreg:$0x11] =	wrdreg s12;
	s6 =	simm.s32 $0x800;
	s5 =	sadd.s32 s5, s4  }
0x12: {  	s3 =	sadd.s32 s3, s4;
	[dreg:$0x12] =	wrdreg s6;
	s5 =	sadd.s32 $0x1EFC00, s5  }
0x13: {  	s3 =	sadd.s32 $0x1F4C00, s3;
	[dreg:$0x2] =	wrdreg s5  }
0x14: {  	[dreg:$0x3] =	wrdreg s3;
	s5 =	simm.s32 $0x400  }
0x15: {  	[dreg:$0xa] =	wrdreg s5  }
0x16: {  	s3 =	simm.s32 $0x2;
	s5 =	rddreg [dreg:$0x2]  }
0x17: {  	[tilespmem:s2], [sflag:$0x2] =	stream.linear.gather [hbm4b:s5+s2], $0x1400, $0x38;
	[tilespmem:$0x19400] =	vst v63  }
0x18: {  	_ =	swait.ge [sflag:s3], $0x1400  }
0x19: {  	s7 =	simm.s32 $0x1;
	s4 =	sadd.s32 $0x800, s4;
	[sflag:s3] =	ssyncset.done $0x0  }
0x1a: {  	s6 =	simm.s32 $0x1400;
	s5 =	simm.s32 $0x80;
	[sflag:s3] =	ssyncadd.s32 $0xFFFFEC00  }
0x1b: {  	[tilespmem:s6], [sflag:$0x1] =	stream.indirect.gather [hbm4b:s4+s5], $0x300, s2, s5, $0xb8;
	[tilespmem:$0x19400] =	vst v63  }
0x1c: {  	_ =	swait.ge [sflag:s7], $0x18000  }
0x1d: {  	[sflag:s7] =	ssyncset.done $0x0  }
0x1e: {  	[sflag:s7] =	ssyncadd.s32 $0xFFFE8000  }
0x1f: {  	[tilespmem:s6], [sflag:$0x1] =	stream.indirect.gather.add.f32 [hbm:s4], $0x300, s5, s5, $0xb8;
	[tilespmem:$0x19400] =	vst v63  }
0x20: {  	_ =	swait.ge [sflag:s7], $0x18000  }
0x21: {  	[sflag:s7] =	ssyncset.done $0x0  }
0x22: {  	s8 =	rddreg [dreg:$0x4];
	[sflag:s7] =	ssyncadd.s32 $0xFFFE8000  }
0x23: {  	[tilespmem:s6], [sflag:$0x1] =	stream.indirect.gather.add.f32 [hbm:s4], $0x300, s8, s5, $0xb8;
	[tilespmem:$0x19400] =	vst v63  }
0x24: {  	_ =	swait.ge [sflag:s7], $0x18000  }
0x25: {  	[sflag:s7] =	ssyncset.done $0x0  }
0x26: {  	s13 =	rddreg [dreg:$0x5];
	[sflag:s7] =	ssyncadd.s32 $0xFFFE8000  }
0x27: {  	[tilespmem:s6], [sflag:$0x1] =	stream.indirect.gather.add.f32 [hbm:s4], $0x300, s13, s5, $0xb8;
	[tilespmem:$0x19400] =	vst v63  }
0x28: {  	_ =	swait.ge [sflag:s7], $0x18000  }
0x29: {  	[sflag:s7] =	ssyncset.done $0x0  }
0x2a: {  	s14 =	rddreg [dreg:$0x6];
	[sflag:s7] =	ssyncadd.s32 $0xFFFE8000  }
0x2b: {  	[tilespmem:s6], [sflag:$0x1] =	stream.indirect.gather.add.f32 [hbm:s4], $0x300, s14, s5, $0xb8;
	[tilespmem:$0x19400] =	vst v63  }
0x2c: {  	_ =	swait.ge [sflag:s7], $0x18000  }
0x2d: {  	[sflag:s7] =	ssyncset.done $0x0  }
0x2e: {  	s15 =	rddreg [dreg:$0x7];
	[sflag:s7] =	ssyncadd.s32 $0xFFFE8000  }
0x2f: {  	[tilespmem:s6], [sflag:$0x1] =	stream.indirect.gather.add.f32 [hbm:s4], $0x300, s15, s5, $0xb8;
	[tilespmem:$0x19400] =	vst v63  }
0x30: {  	_ =	swait.ge [sflag:s7], $0x18000  }
0x31: {  	[sflag:s7] =	ssyncset.done $0x0  }
0x32: {  	s16 =	rddreg [dreg:$0x8];
	[sflag:s7] =	ssyncadd.s32 $0xFFFE8000  }
0x33: {  	[tilespmem:s6], [sflag:$0x1] =	stream.indirect.gather.add.f32 [hbm:s4], $0x300, s16, s5, $0xb8;
	[tilespmem:$0x19400] =	vst v63  }
0x34: {  	_ =	swait.ge [sflag:s7], $0x18000  }
0x35: {  	[sflag:s7] =	ssyncset.done $0x0  }
0x36: {  	s17 =	rddreg [dreg:$0x9];
	[sflag:s7] =	ssyncadd.s32 $0xFFFE8000  }
0x37: {  	[tilespmem:s6], [sflag:$0x1] =	stream.indirect.gather.add.f32 [hbm:s4], $0x300, s17, s5, $0xb8;
	[tilespmem:$0x19400] =	vst v63  }
0x38: {  	_ =	swait.ge [sflag:s7], $0x18000  }
0x39: {  	[sflag:s7] =	ssyncset.done $0x0  }
0x3a: {  	s18 =	rddreg [dreg:$0xa];
	[sflag:s7] =	ssyncadd.s32 $0xFFFE8000  }
0x3b: {  	[tilespmem:s6], [sflag:$0x1] =	stream.indirect.gather.add.f32 [hbm:s4], $0x300, s18, s5, $0xb8;
	[tilespmem:$0x19400] =	vst v63  }
0x3c: {  	_ =	swait.ge [sflag:s7], $0x18000  }
0x3d: {  	[sflag:s7] =	ssyncset.done $0x0  }
0x3e: {  	s19 =	rddreg [dreg:$0xb];
	[sflag:s7] =	ssyncadd.s32 $0xFFFE8000  }
0x3f: {  	[tilespmem:s6], [sflag:$0x1] =	stream.indirect.gather.add.f32 [hbm:s4], $0x300, s19, s5, $0xb8;
	[tilespmem:$0x19400] =	vst v63  }
0x40: {  	_ =	swait.ge [sflag:s7], $0x18000  }
0x41: {  	[sflag:s7] =	ssyncset.done $0x0  }
0x42: {  	s20 =	rddreg [dreg:$0xc];
	[sflag:s7] =	ssyncadd.s32 $0xFFFE8000  }
0x43: {  	[tilespmem:s6], [sflag:$0x1] =	stream.indirect.gather.add.f32 [hbm:s4], $0x300, s20, s5, $0xb8;
	[tilespmem:$0x19400] =	vst v63  }
0x44: {  	_ =	swait.ge [sflag:s7], $0x18000  }
0x45: {  	[sflag:s7] =	ssyncset.done $0x0  }
0x46: {  	s21 =	rddreg [dreg:$0xd];
	[sflag:s7] =	ssyncadd.s32 $0xFFFE8000  }
0x47: {  	[tilespmem:s6], [sflag:$0x1] =	stream.indirect.gather.add.f32 [hbm:s4], $0x300, s21, s5, $0xb8;
	[tilespmem:$0x19400] =	vst v63  }
0x48: {  	_ =	swait.ge [sflag:s7], $0x18000  }
0x49: {  	[sflag:s7] =	ssyncset.done $0x0  }
0x4a: {  	s22 =	rddreg [dreg:$0xe];
	[sflag:s7] =	ssyncadd.s32 $0xFFFE8000  }
0x4b: {  	[tilespmem:s6], [sflag:$0x1] =	stream.indirect.gather.add.f32 [hbm:s4], $0x300, s22, s5, $0xb8;
	[tilespmem:$0x19400] =	vst v63  }
0x4c: {  	_ =	swait.ge [sflag:s7], $0x18000  }
0x4d: {  	[sflag:s7] =	ssyncset.done $0x0  }
0x4e: {  	s23 =	rddreg [dreg:$0xf];
	[sflag:s7] =	ssyncadd.s32 $0xFFFE8000  }
0x4f: {  	[tilespmem:s6], [sflag:$0x1] =	stream.indirect.gather.add.f32 [hbm:s4], $0x300, s23, s5, $0xb8;
	[tilespmem:$0x19400] =	vst v63  }
0x50: {  	_ =	swait.ge [sflag:s7], $0x18000  }
0x51: {  	[sflag:s7] =	ssyncset.done $0x0  }
0x52: {  	s24 =	rddreg [dreg:$0x10];
	[sflag:s7] =	ssyncadd.s32 $0xFFFE8000  }
0x53: {  	[tilespmem:s6], [sflag:$0x1] =	stream.indirect.gather.add.f32 [hbm:s4], $0x300, s24, s5, $0xb8;
	[tilespmem:$0x19400] =	vst v63  }
0x54: {  	_ =	swait.ge [sflag:s7], $0x18000  }
0x55: {  	[sflag:s7] =	ssyncset.done $0x0  }
0x56: {  	s25 =	rddreg [dreg:$0x11];
	[sflag:s7] =	ssyncadd.s32 $0xFFFE8000  }
0x57: {  	[tilespmem:s6], [sflag:$0x1] =	stream.indirect.gather.add.f32 [hbm:s4], $0x300, s25, s5, $0xb8;
	[tilespmem:$0x19400] =	vst v63  }
0x58: {  	_ =	swait.ge [sflag:s7], $0x18000  }
0x59: {  	[sflag:s7] =	ssyncset.done $0x0  }
0x5a: {  	s26 =	rddreg [dreg:$0x12];
	[sflag:s7] =	ssyncadd.s32 $0xFFFE8000  }
0x5b: {  	[tilespmem:s6], [sflag:$0x1] =	stream.indirect.gather.add.f32 [hbm:s4], $0x300, s26, s5, $0xb8;
	[tilespmem:$0x19400] =	vst v63  }
0x5c: {  	_ =	swait.ge [sflag:s7], $0x18000  }
0x5d: {  	[sflag:s7] =	ssyncset.done $0x0  }
0x5e: {  	s8 =	simm.s32 $0x880;
	[sflag:s7] =	ssyncadd.s32 $0xFFFE8000  }
0x5f: {  	[tilespmem:s6], [sflag:$0x1] =	stream.indirect.gather.add.f32 [hbm:s4], $0x300, s8, s5, $0xb8;
	[tilespmem:$0x19400] =	vst v63  }
0x60: {  	_ =	swait.ge [sflag:s7], $0x18000  }
0x61: {  	[sflag:s7] =	ssyncset.done $0x0  }
0x62: {  	s9 =	simm.s32 $0x900;
	[sflag:s7] =	ssyncadd.s32 $0xFFFE8000  }
0x63: {  	[tilespmem:s6], [sflag:$0x1] =	stream.indirect.gather.add.f32 [hbm:s4], $0x300, s9, s5, $0xb8;
	[tilespmem:$0x19400] =	vst v63  }
0x64: {  	_ =	swait.ge [sflag:s7], $0x18000  }
0x65: {  	[sflag:s7] =	ssyncset.done $0x0  }
0x66: {  	s10 =	simm.s32 $0x980;
	[sflag:s7] =	ssyncadd.s32 $0xFFFE8000  }
0x67: {  	[tilespmem:s6], [sflag:$0x1] =	stream.indirect.gather.add.f32 [hbm:s4], $0x300, s10, s5, $0xb8;
	[tilespmem:$0x19400] =	vst v63  }
0x68: {  	_ =	swait.ge [sflag:s7], $0x18000  }
0x69: {  	[sflag:s7] =	ssyncset.done $0x0  }
0x6a: {  	s11 =	simm.s32 $0xA00;
	[sflag:s7] =	ssyncadd.s32 $0xFFFE8000  }
0x6b: {  	[tilespmem:s6], [sflag:$0x1] =	stream.indirect.gather.add.f32 [hbm:s4], $0x300, s11, s5, $0xb8;
	[tilespmem:$0x19400] =	vst v63  }
0x6c: {  	_ =	swait.ge [sflag:s7], $0x18000  }
0x6d: {  	[sflag:s7] =	ssyncset.done $0x0  }
0x6e: {  	s12 =	simm.s32 $0xA80;
	[sflag:s7] =	ssyncadd.s32 $0xFFFE8000  }
0x6f: {  	[tilespmem:s6], [sflag:$0x1] =	stream.indirect.gather.add.f32 [hbm:s4], $0x300, s12, s5, $0xb8;
	[tilespmem:$0x19400] =	vst v63  }
0x70: {  	_ =	swait.ge [sflag:s7], $0x18000  }
0x71: {  	[sflag:s7] =	ssyncset.done $0x0  }
0x72: {  	s13 =	simm.s32 $0xB00;
	[sflag:s7] =	ssyncadd.s32 $0xFFFE8000  }
0x73: {  	[tilespmem:s6], [sflag:$0x1] =	stream.indirect.gather.add.f32 [hbm:s4], $0x300, s13, s5, $0xb8;
	[tilespmem:$0x19400] =	vst v63  }
0x74: {  	_ =	swait.ge [sflag:s7], $0x18000  }
0x75: {  	[sflag:s7] =	ssyncset.done $0x0  }
0x76: {  	s14 =	simm.s32 $0xB80;
	[sflag:s7] =	ssyncadd.s32 $0xFFFE8000  }
0x77: {  	[tilespmem:s6], [sflag:$0x1] =	stream.indirect.gather.add.f32 [hbm:s4], $0x300, s14, s5, $0xb8;
	[tilespmem:$0x19400] =	vst v63  }
0x78: {  	_ =	swait.ge [sflag:s7], $0x18000  }
0x79: {  	[sflag:s7] =	ssyncset.done $0x0  }
0x7a: {  	s15 =	simm.s32 $0xC00;
	[sflag:s7] =	ssyncadd.s32 $0xFFFE8000  }
0x7b: {  	[tilespmem:s6], [sflag:$0x1] =	stream.indirect.gather.add.f32 [hbm:s4], $0x300, s15, s5, $0xb8;
	[tilespmem:$0x19400] =	vst v63  }
0x7c: {  	_ =	swait.ge [sflag:s7], $0x18000  }
0x7d: {  	[sflag:s7] =	ssyncset.done $0x0  }
0x7e: {  	s16 =	simm.s32 $0xC80;
	[sflag:s7] =	ssyncadd.s32 $0xFFFE8000  }
0x7f: {  	[tilespmem:s6], [sflag:$0x1] =	stream.indirect.gather.add.f32 [hbm:s4], $0x300, s16, s5, $0xb8;
	[tilespmem:$0x19400] =	vst v63  }
0x80: {  	_ =	swait.ge [sflag:s7], $0x18000  }
0x81: {  	[sflag:s7] =	ssyncset.done $0x0  }
0x82: {  	s17 =	simm.s32 $0xD00;
	[sflag:s7] =	ssyncadd.s32 $0xFFFE8000  }
0x83: {  	[tilespmem:s6], [sflag:$0x1] =	stream.indirect.gather.add.f32 [hbm:s4], $0x300, s17, s5, $0xb8;
	[tilespmem:$0x19400] =	vst v63  }
0x84: {  	_ =	swait.ge [sflag:s7], $0x18000  }
0x85: {  	[sflag:s7] =	ssyncset.done $0x0  }
0x86: {  	s18 =	simm.s32 $0xD80;
	[sflag:s7] =	ssyncadd.s32 $0xFFFE8000  }
0x87: {  	[tilespmem:s6], [sflag:$0x1] =	stream.indirect.gather.add.f32 [hbm:s4], $0x300, s18, s5, $0xb8;
	[tilespmem:$0x19400] =	vst v63  }
0x88: {  	_ =	swait.ge [sflag:s7], $0x18000  }
0x89: {  	[sflag:s7] =	ssyncset.done $0x0  }
0x8a: {  	s19 =	simm.s32 $0xE00;
	[sflag:s7] =	ssyncadd.s32 $0xFFFE8000  }
0x8b: {  	[tilespmem:s6], [sflag:$0x1] =	stream.indirect.gather.add.f32 [hbm:s4], $0x300, s19, s5, $0xb8;
	[tilespmem:$0x19400] =	vst v63  }
0x8c: {  	_ =	swait.ge [sflag:s7], $0x18000  }
0x8d: {  	[sflag:s7] =	ssyncset.done $0x0  }
0x8e: {  	s20 =	simm.s32 $0xE80;
	[sflag:s7] =	ssyncadd.s32 $0xFFFE8000  }
0x8f: {  	[tilespmem:s6], [sflag:$0x1] =	stream.indirect.gather.add.f32 [hbm:s4], $0x300, s20, s5, $0xb8;
	[tilespmem:$0x19400] =	vst v63  }
0x90: {  	_ =	swait.ge [sflag:s7], $0x18000  }
0x91: {  	[sflag:s7] =	ssyncset.done $0x0  }
0x92: {  	s21 =	simm.s32 $0xF00;
	[sflag:s7] =	ssyncadd.s32 $0xFFFE8000  }
0x93: {  	[tilespmem:s6], [sflag:$0x1] =	stream.indirect.gather.add.f32 [hbm:s4], $0x300, s21, s5, $0xb8;
	[tilespmem:$0x19400] =	vst v63  }
0x94: {  	_ =	swait.ge [sflag:s7], $0x18000  }
0x95: {  	[sflag:s7] =	ssyncset.done $0x0  }
0x96: {  	s22 =	simm.s32 $0xF80;
	[sflag:s7] =	ssyncadd.s32 $0xFFFE8000  }
0x97: {  	[tilespmem:s6], [sflag:$0x1] =	stream.indirect.gather.add.f32 [hbm:s4], $0x300, s22, s5, $0xb8;
	[tilespmem:$0x19400] =	vst v63  }
0x98: {  	_ =	swait.ge [sflag:s7], $0x18000  }
0x99: {  	[sflag:s7] =	ssyncset.done $0x0  }
0x9a: {  	s23 =	simm.s32 $0x1000;
	[sflag:s7] =	ssyncadd.s32 $0xFFFE8000  }
0x9b: {  	[tilespmem:s6], [sflag:$0x1] =	stream.indirect.gather.add.f32 [hbm:s4], $0x300, s23, s5, $0xb8;
	[tilespmem:$0x19400] =	vst v63  }
0x9c: {  	_ =	swait.ge [sflag:s7], $0x18000  }
0x9d: {  	[sflag:s7] =	ssyncset.done $0x0  }
0x9e: {  	s24 =	simm.s32 $0x1080;
	[sflag:s7] =	ssyncadd.s32 $0xFFFE8000  }
0x9f: {  	[tilespmem:s6], [sflag:$0x1] =	stream.indirect.gather.add.f32 [hbm:s4], $0x300, s24, s5, $0xb8;
	[tilespmem:$0x19400] =	vst v63  }
0xa0: {  	_ =	swait.ge [sflag:s7], $0x18000  }
0xa1: {  	[sflag:s7] =	ssyncset.done $0x0  }
0xa2: {  	s25 =	simm.s32 $0x1100;
	[sflag:s7] =	ssyncadd.s32 $0xFFFE8000  }
0xa3: {  	[tilespmem:s6], [sflag:$0x1] =	stream.indirect.gather.add.f32 [hbm:s4], $0x300, s25, s5, $0xb8;
	[tilespmem:$0x19400] =	vst v63  }
0xa4: {  	_ =	swait.ge [sflag:s7], $0x18000  }
0xa5: {  	[sflag:s7] =	ssyncset.done $0x0  }
0xa6: {  	s26 =	simm.s32 $0x1180;
	[sflag:s7] =	ssyncadd.s32 $0xFFFE8000  }
0xa7: {  	[tilespmem:s6], [sflag:$0x1] =	stream.indirect.gather.add.f32 [hbm:s4], $0x300, s26, s5, $0xb8;
	[tilespmem:$0x19400] =	vst v63  }
0xa8: {  	_ =	swait.ge [sflag:s7], $0x18000  }
0xa9: {  	[sflag:s7] =	ssyncset.done $0x0  }
0xaa: {  	s28 =	simm.s32 $0x1200;
	[sflag:s7] =	ssyncadd.s32 $0xFFFE8000  }
0xab: {  	[tilespmem:s6], [sflag:$0x1] =	stream.indirect.gather.add.f32 [hbm:s4], $0x300, s28, s5, $0xb8;
	[tilespmem:$0x19400] =	vst v63  }
0xac: {  	_ =	swait.ge [sflag:s7], $0x18000  }
0xad: {  	[sflag:s7] =	ssyncset.done $0x0  }
0xae: {  	s29 =	simm.s32 $0x1280;
	[sflag:s7] =	ssyncadd.s32 $0xFFFE8000  }
0xaf: {  	[tilespmem:s6], [sflag:$0x1] =	stream.indirect.gather.add.f32 [hbm:s4], $0x300, s29, s5, $0xb8;
	[tilespmem:$0x19400] =	vst v63  }
0xb0: {  	_ =	swait.ge [sflag:s7], $0x18000  }
0xb1: {  	[sflag:s7] =	ssyncset.done $0x0  }
0xb2: {  	s30 =	simm.s32 $0x1300;
	[sflag:s7] =	ssyncadd.s32 $0xFFFE8000  }
0xb3: {  	[tilespmem:s6], [sflag:$0x1] =	stream.indirect.gather.add.f32 [hbm:s4], $0x300, s30, s5, $0xb8;
	[tilespmem:$0x19400] =	vst v63  }
0xb4: {  	_ =	swait.ge [sflag:s7], $0x18000  }
0xb5: {  	[sflag:s7] =	ssyncset.done $0x0  }
0xb6: {  	s31 =	simm.s32 $0x1380;
	[sflag:s7] =	ssyncadd.s32 $0xFFFE8000  }
0xb7: {  	[tilespmem:s6], [sflag:$0x1] =	stream.indirect.gather.add.f32 [hbm:s4], $0x300, s31, s5, $0xb8;
	[tilespmem:$0x19400] =	vst v63  }
0xb8: {  	_ =	swait.ge [sflag:s7], $0x18000  }
0xb9: {  	s1 =	ssub.s32 $0x2, s1;
	s0 =	rddreg [dreg:$0x3]  }
0xba: {  	[dreg:$0x13] =	wrdreg s0;
	s0 =	sshrl.u32 s1, $0x1  }
0xbb: {  	s0 =	ssub.s32 s1, s0  }
0xbc: {  	s0 =	smax.u32 s0, $0x1  }
0xbd: {  	p0 =	sne.s32 s0, $0x1  }
.Ltmp0:
0xbe: {  	_ = 	snop;
	(pc) =	sbr.rel @!p0 .LBB2_2-.Ltmp0, $4  }
0xbf: {  	[sflag:s7] =	ssyncset.done $0x0  }
0xc0: {  	[sflag:s7] =	ssyncadd.s32 $0xFFFE8000;
	s1 =	rddreg [dreg:$0x13]  }
0xc1: {  	[hbm4b:s1+s2] =	stream.linear.scatter [tilespmem:s6], [sflag:$0x2], $0x18000, $0x38;
	[tilespmem:$0x19400] =	vst v63  }
0xc2: {  	s1 =	sadd.s32 $0xFFFFFFFF, s0;
	_ =	swait.ge [sflag:s3], $0x18000  }
.LBB2_1:
0xc3: {  	[sflag:s3] =	ssyncset.done $0x0  }
0xc4: {  	s0 =	rddreg [dreg:$0x2];
	[sflag:s3] =	ssyncadd.s32 $0xFFFE8000  }
0xc5: {  	[tilespmem:s2], [sflag:$0x2] =	stream.linear.gather [hbm4b:s0+s2], $0x1400, $0x38;
	[tilespmem:$0x19400] =	vst v63  }
0xc6: {  	_ =	swait.ge [sflag:s3], $0x1400  }
0xc7: {  	[sflag:s3] =	ssyncset.done $0x0  }
0xc8: {  	[sflag:s3] =	ssyncadd.s32 $0xFFFFEC00  }
0xc9: {  	[tilespmem:s6], [sflag:$0x1] =	stream.indirect.gather [hbm4b:s4+s5], $0x300, s2, s5, $0xb8;
	[tilespmem:$0x19400] =	vst v63  }
0xca: {  	_ =	swait.ge [sflag:s7], $0x18000  }
0xcb: {  	[sflag:s7] =	ssyncset.done $0x0  }
0xcc: {  	[sflag:s7] =	ssyncadd.s32 $0xFFFE8000  }
0xcd: {  	[tilespmem:s6], [sflag:$0x1] =	stream.indirect.gather.add.f32 [hbm:s4], $0x300, s5, s5, $0xb8;
	[tilespmem:$0x19400] =	vst v63  }
0xce: {  	_ =	swait.ge [sflag:s7], $0x18000  }
0xcf: {  	[sflag:s7] =	ssyncset.done $0x0  }
0xd0: {  	s0 =	rddreg [dreg:$0x4];
	[sflag:s7] =	ssyncadd.s32 $0xFFFE8000  }
0xd1: {  	[tilespmem:s6], [sflag:$0x1] =	stream.indirect.gather.add.f32 [hbm:s4], $0x300, s0, s5, $0xb8;
	[tilespmem:$0x19400] =	vst v63  }
0xd2: {  	_ =	swait.ge [sflag:s7], $0x18000  }
0xd3: {  	[sflag:s7] =	ssyncset.done $0x0  }
0xd4: {  	s0 =	rddreg [dreg:$0x5];
	[sflag:s7] =	ssyncadd.s32 $0xFFFE8000  }
0xd5: {  	[tilespmem:s6], [sflag:$0x1] =	stream.indirect.gather.add.f32 [hbm:s4], $0x300, s0, s5, $0xb8;
	[tilespmem:$0x19400] =	vst v63  }
0xd6: {  	_ =	swait.ge [sflag:s7], $0x18000  }
0xd7: {  	[sflag:s7] =	ssyncset.done $0x0  }
0xd8: {  	s0 =	rddreg [dreg:$0x6];
	[sflag:s7] =	ssyncadd.s32 $0xFFFE8000  }
0xd9: {  	[tilespmem:s6], [sflag:$0x1] =	stream.indirect.gather.add.f32 [hbm:s4], $0x300, s0, s5, $0xb8;
	[tilespmem:$0x19400] =	vst v63  }
0xda: {  	_ =	swait.ge [sflag:s7], $0x18000  }
0xdb: {  	[sflag:s7] =	ssyncset.done $0x0  }
0xdc: {  	s0 =	rddreg [dreg:$0x7];
	[sflag:s7] =	ssyncadd.s32 $0xFFFE8000  }
0xdd: {  	[tilespmem:s6], [sflag:$0x1] =	stream.indirect.gather.add.f32 [hbm:s4], $0x300, s0, s5, $0xb8;
	[tilespmem:$0x19400] =	vst v63  }
0xde: {  	_ =	swait.ge [sflag:s7], $0x18000  }
0xdf: {  	[sflag:s7] =	ssyncset.done $0x0  }
0xe0: {  	s0 =	rddreg [dreg:$0x8];
	[sflag:s7] =	ssyncadd.s32 $0xFFFE8000  }
0xe1: {  	[tilespmem:s6], [sflag:$0x1] =	stream.indirect.gather.add.f32 [hbm:s4], $0x300, s0, s5, $0xb8;
	[tilespmem:$0x19400] =	vst v63  }
0xe2: {  	_ =	swait.ge [sflag:s7], $0x18000  }
0xe3: {  	[sflag:s7] =	ssyncset.done $0x0  }
0xe4: {  	s0 =	rddreg [dreg:$0x9];
	[sflag:s7] =	ssyncadd.s32 $0xFFFE8000  }
0xe5: {  	[tilespmem:s6], [sflag:$0x1] =	stream.indirect.gather.add.f32 [hbm:s4], $0x300, s0, s5, $0xb8;
	[tilespmem:$0x19400] =	vst v63  }
0xe6: {  	_ =	swait.ge [sflag:s7], $0x18000  }
0xe7: {  	[sflag:s7] =	ssyncset.done $0x0  }
0xe8: {  	s0 =	rddreg [dreg:$0xa];
	[sflag:s7] =	ssyncadd.s32 $0xFFFE8000  }
0xe9: {  	[tilespmem:s6], [sflag:$0x1] =	stream.indirect.gather.add.f32 [hbm:s4], $0x300, s0, s5, $0xb8;
	[tilespmem:$0x19400] =	vst v63  }
0xea: {  	_ =	swait.ge [sflag:s7], $0x18000  }
0xeb: {  	[sflag:s7] =	ssyncset.done $0x0  }
0xec: {  	s0 =	rddreg [dreg:$0xb];
	[sflag:s7] =	ssyncadd.s32 $0xFFFE8000  }
0xed: {  	[tilespmem:s6], [sflag:$0x1] =	stream.indirect.gather.add.f32 [hbm:s4], $0x300, s0, s5, $0xb8;
	[tilespmem:$0x19400] =	vst v63  }
0xee: {  	_ =	swait.ge [sflag:s7], $0x18000  }
0xef: {  	[sflag:s7] =	ssyncset.done $0x0  }
0xf0: {  	s0 =	rddreg [dreg:$0xc];
	[sflag:s7] =	ssyncadd.s32 $0xFFFE8000  }
0xf1: {  	[tilespmem:s6], [sflag:$0x1] =	stream.indirect.gather.add.f32 [hbm:s4], $0x300, s0, s5, $0xb8;
	[tilespmem:$0x19400] =	vst v63  }
0xf2: {  	_ =	swait.ge [sflag:s7], $0x18000  }
0xf3: {  	[sflag:s7] =	ssyncset.done $0x0  }
0xf4: {  	s0 =	rddreg [dreg:$0xd];
	[sflag:s7] =	ssyncadd.s32 $0xFFFE8000  }
0xf5: {  	[tilespmem:s6], [sflag:$0x1] =	stream.indirect.gather.add.f32 [hbm:s4], $0x300, s0, s5, $0xb8;
	[tilespmem:$0x19400] =	vst v63  }
0xf6: {  	_ =	swait.ge [sflag:s7], $0x18000  }
0xf7: {  	[sflag:s7] =	ssyncset.done $0x0  }
0xf8: {  	s0 =	rddreg [dreg:$0xe];
	[sflag:s7] =	ssyncadd.s32 $0xFFFE8000  }
0xf9: {  	[tilespmem:s6], [sflag:$0x1] =	stream.indirect.gather.add.f32 [hbm:s4], $0x300, s0, s5, $0xb8;
	[tilespmem:$0x19400] =	vst v63  }
0xfa: {  	_ =	swait.ge [sflag:s7], $0x18000  }
0xfb: {  	[sflag:s7] =	ssyncset.done $0x0  }
0xfc: {  	s0 =	rddreg [dreg:$0xf];
	[sflag:s7] =	ssyncadd.s32 $0xFFFE8000  }
0xfd: {  	[tilespmem:s6], [sflag:$0x1] =	stream.indirect.gather.add.f32 [hbm:s4], $0x300, s0, s5, $0xb8;
	[tilespmem:$0x19400] =	vst v63  }
0xfe: {  	_ =	swait.ge [sflag:s7], $0x18000  }
0xff: {  	[sflag:s7] =	ssyncset.done $0x0  }
0x100: {  	s0 =	rddreg [dreg:$0x10];
	[sflag:s7] =	ssyncadd.s32 $0xFFFE8000  }
0x101: {  	[tilespmem:s6], [sflag:$0x1] =	stream.indirect.gather.add.f32 [hbm:s4], $0x300, s0, s5, $0xb8;
	[tilespmem:$0x19400] =	vst v63  }
0x102: {  	_ =	swait.ge [sflag:s7], $0x18000  }
0x103: {  	[sflag:s7] =	ssyncset.done $0x0  }
0x104: {  	s0 =	rddreg [dreg:$0x11];
	[sflag:s7] =	ssyncadd.s32 $0xFFFE8000  }
0x105: {  	[tilespmem:s6], [sflag:$0x1] =	stream.indirect.gather.add.f32 [hbm:s4], $0x300, s0, s5, $0xb8;
	[tilespmem:$0x19400] =	vst v63  }
0x106: {  	_ =	swait.ge [sflag:s7], $0x18000  }
0x107: {  	[sflag:s7] =	ssyncset.done $0x0  }
0x108: {  	s0 =	rddreg [dreg:$0x12];
	[sflag:s7] =	ssyncadd.s32 $0xFFFE8000  }
0x109: {  	[tilespmem:s6], [sflag:$0x1] =	stream.indirect.gather.add.f32 [hbm:s4], $0x300, s0, s5, $0xb8;
	[tilespmem:$0x19400] =	vst v63  }
0x10a: {  	_ =	swait.ge [sflag:s7], $0x18000  }
0x10b: {  	[sflag:s7] =	ssyncset.done $0x0  }
0x10c: {  	[sflag:s7] =	ssyncadd.s32 $0xFFFE8000  }
0x10d: {  	[tilespmem:s6], [sflag:$0x1] =	stream.indirect.gather.add.f32 [hbm:s4], $0x300, s8, s5, $0xb8;
	[tilespmem:$0x19400] =	vst v63  }
0x10e: {  	_ =	swait.ge [sflag:s7], $0x18000  }
0x10f: {  	[sflag:s7] =	ssyncset.done $0x0  }
0x110: {  	[sflag:s7] =	ssyncadd.s32 $0xFFFE8000  }
0x111: {  	[tilespmem:s6], [sflag:$0x1] =	stream.indirect.gather.add.f32 [hbm:s4], $0x300, s9, s5, $0xb8;
	[tilespmem:$0x19400] =	vst v63  }
0x112: {  	_ =	swait.ge [sflag:s7], $0x18000  }
0x113: {  	[sflag:s7] =	ssyncset.done $0x0  }
0x114: {  	[sflag:s7] =	ssyncadd.s32 $0xFFFE8000  }
0x115: {  	[tilespmem:s6], [sflag:$0x1] =	stream.indirect.gather.add.f32 [hbm:s4], $0x300, s10, s5, $0xb8;
	[tilespmem:$0x19400] =	vst v63  }
0x116: {  	_ =	swait.ge [sflag:s7], $0x18000  }
0x117: {  	[sflag:s7] =	ssyncset.done $0x0  }
0x118: {  	[sflag:s7] =	ssyncadd.s32 $0xFFFE8000  }
0x119: {  	[tilespmem:s6], [sflag:$0x1] =	stream.indirect.gather.add.f32 [hbm:s4], $0x300, s11, s5, $0xb8;
	[tilespmem:$0x19400] =	vst v63  }
0x11a: {  	_ =	swait.ge [sflag:s7], $0x18000  }
0x11b: {  	[sflag:s7] =	ssyncset.done $0x0  }
0x11c: {  	[sflag:s7] =	ssyncadd.s32 $0xFFFE8000  }
0x11d: {  	[tilespmem:s6], [sflag:$0x1] =	stream.indirect.gather.add.f32 [hbm:s4], $0x300, s12, s5, $0xb8;
	[tilespmem:$0x19400] =	vst v63  }
0x11e: {  	_ =	swait.ge [sflag:s7], $0x18000  }
0x11f: {  	[sflag:s7] =	ssyncset.done $0x0  }
0x120: {  	[sflag:s7] =	ssyncadd.s32 $0xFFFE8000  }
0x121: {  	[tilespmem:s6], [sflag:$0x1] =	stream.indirect.gather.add.f32 [hbm:s4], $0x300, s13, s5, $0xb8;
	[tilespmem:$0x19400] =	vst v63  }
0x122: {  	_ =	swait.ge [sflag:s7], $0x18000  }
0x123: {  	[sflag:s7] =	ssyncset.done $0x0  }
0x124: {  	[sflag:s7] =	ssyncadd.s32 $0xFFFE8000  }
0x125: {  	[tilespmem:s6], [sflag:$0x1] =	stream.indirect.gather.add.f32 [hbm:s4], $0x300, s14, s5, $0xb8;
	[tilespmem:$0x19400] =	vst v63  }
0x126: {  	_ =	swait.ge [sflag:s7], $0x18000  }
0x127: {  	[sflag:s7] =	ssyncset.done $0x0  }
0x128: {  	[sflag:s7] =	ssyncadd.s32 $0xFFFE8000  }
0x129: {  	[tilespmem:s6], [sflag:$0x1] =	stream.indirect.gather.add.f32 [hbm:s4], $0x300, s15, s5, $0xb8;
	[tilespmem:$0x19400] =	vst v63  }
0x12a: {  	_ =	swait.ge [sflag:s7], $0x18000  }
0x12b: {  	[sflag:s7] =	ssyncset.done $0x0  }
0x12c: {  	[sflag:s7] =	ssyncadd.s32 $0xFFFE8000  }
0x12d: {  	[tilespmem:s6], [sflag:$0x1] =	stream.indirect.gather.add.f32 [hbm:s4], $0x300, s16, s5, $0xb8;
	[tilespmem:$0x19400] =	vst v63  }
0x12e: {  	_ =	swait.ge [sflag:s7], $0x18000  }
0x12f: {  	[sflag:s7] =	ssyncset.done $0x0  }
0x130: {  	[sflag:s7] =	ssyncadd.s32 $0xFFFE8000  }
0x131: {  	[tilespmem:s6], [sflag:$0x1] =	stream.indirect.gather.add.f32 [hbm:s4], $0x300, s17, s5, $0xb8;
	[tilespmem:$0x19400] =	vst v63  }
0x132: {  	_ =	swait.ge [sflag:s7], $0x18000  }
0x133: {  	[sflag:s7] =	ssyncset.done $0x0  }
0x134: {  	[sflag:s7] =	ssyncadd.s32 $0xFFFE8000  }
0x135: {  	[tilespmem:s6], [sflag:$0x1] =	stream.indirect.gather.add.f32 [hbm:s4], $0x300, s18, s5, $0xb8;
	[tilespmem:$0x19400] =	vst v63  }
0x136: {  	_ =	swait.ge [sflag:s7], $0x18000  }
0x137: {  	[sflag:s7] =	ssyncset.done $0x0  }
0x138: {  	[sflag:s7] =	ssyncadd.s32 $0xFFFE8000  }
0x139: {  	[tilespmem:s6], [sflag:$0x1] =	stream.indirect.gather.add.f32 [hbm:s4], $0x300, s19, s5, $0xb8;
	[tilespmem:$0x19400] =	vst v63  }
0x13a: {  	_ =	swait.ge [sflag:s7], $0x18000  }
0x13b: {  	[sflag:s7] =	ssyncset.done $0x0  }
0x13c: {  	[sflag:s7] =	ssyncadd.s32 $0xFFFE8000  }
0x13d: {  	[tilespmem:s6], [sflag:$0x1] =	stream.indirect.gather.add.f32 [hbm:s4], $0x300, s20, s5, $0xb8;
	[tilespmem:$0x19400] =	vst v63  }
0x13e: {  	_ =	swait.ge [sflag:s7], $0x18000  }
0x13f: {  	[sflag:s7] =	ssyncset.done $0x0  }
0x140: {  	[sflag:s7] =	ssyncadd.s32 $0xFFFE8000  }
0x141: {  	[tilespmem:s6], [sflag:$0x1] =	stream.indirect.gather.add.f32 [hbm:s4], $0x300, s21, s5, $0xb8;
	[tilespmem:$0x19400] =	vst v63  }
0x142: {  	_ =	swait.ge [sflag:s7], $0x18000  }
0x143: {  	[sflag:s7] =	ssyncset.done $0x0  }
0x144: {  	[sflag:s7] =	ssyncadd.s32 $0xFFFE8000  }
0x145: {  	[tilespmem:s6], [sflag:$0x1] =	stream.indirect.gather.add.f32 [hbm:s4], $0x300, s22, s5, $0xb8;
	[tilespmem:$0x19400] =	vst v63  }
0x146: {  	_ =	swait.ge [sflag:s7], $0x18000  }
0x147: {  	[sflag:s7] =	ssyncset.done $0x0  }
0x148: {  	[sflag:s7] =	ssyncadd.s32 $0xFFFE8000  }
0x149: {  	[tilespmem:s6], [sflag:$0x1] =	stream.indirect.gather.add.f32 [hbm:s4], $0x300, s23, s5, $0xb8;
	[tilespmem:$0x19400] =	vst v63  }
0x14a: {  	_ =	swait.ge [sflag:s7], $0x18000  }
0x14b: {  	[sflag:s7] =	ssyncset.done $0x0  }
0x14c: {  	[sflag:s7] =	ssyncadd.s32 $0xFFFE8000  }
0x14d: {  	[tilespmem:s6], [sflag:$0x1] =	stream.indirect.gather.add.f32 [hbm:s4], $0x300, s24, s5, $0xb8;
	[tilespmem:$0x19400] =	vst v63  }
0x14e: {  	_ =	swait.ge [sflag:s7], $0x18000  }
0x14f: {  	[sflag:s7] =	ssyncset.done $0x0  }
0x150: {  	[sflag:s7] =	ssyncadd.s32 $0xFFFE8000  }
0x151: {  	[tilespmem:s6], [sflag:$0x1] =	stream.indirect.gather.add.f32 [hbm:s4], $0x300, s25, s5, $0xb8;
	[tilespmem:$0x19400] =	vst v63  }
0x152: {  	_ =	swait.ge [sflag:s7], $0x18000  }
0x153: {  	[sflag:s7] =	ssyncset.done $0x0  }
0x154: {  	[sflag:s7] =	ssyncadd.s32 $0xFFFE8000  }
0x155: {  	[tilespmem:s6], [sflag:$0x1] =	stream.indirect.gather.add.f32 [hbm:s4], $0x300, s26, s5, $0xb8;
	[tilespmem:$0x19400] =	vst v63  }
0x156: {  	_ =	swait.ge [sflag:s7], $0x18000  }
0x157: {  	[sflag:s7] =	ssyncset.done $0x0  }
0x158: {  	[sflag:s7] =	ssyncadd.s32 $0xFFFE8000  }
0x159: {  	[tilespmem:s6], [sflag:$0x1] =	stream.indirect.gather.add.f32 [hbm:s4], $0x300, s28, s5, $0xb8;
	[tilespmem:$0x19400] =	vst v63  }
0x15a: {  	_ =	swait.ge [sflag:s7], $0x18000  }
0x15b: {  	[sflag:s7] =	ssyncset.done $0x0  }
0x15c: {  	[sflag:s7] =	ssyncadd.s32 $0xFFFE8000  }
0x15d: {  	[tilespmem:s6], [sflag:$0x1] =	stream.indirect.gather.add.f32 [hbm:s4], $0x300, s29, s5, $0xb8;
	[tilespmem:$0x19400] =	vst v63  }
0x15e: {  	_ =	swait.ge [sflag:s7], $0x18000  }
0x15f: {  	[sflag:s7] =	ssyncset.done $0x0  }
0x160: {  	[sflag:s7] =	ssyncadd.s32 $0xFFFE8000  }
0x161: {  	[tilespmem:s6], [sflag:$0x1] =	stream.indirect.gather.add.f32 [hbm:s4], $0x300, s30, s5, $0xb8;
	[tilespmem:$0x19400] =	vst v63  }
0x162: {  	_ =	swait.ge [sflag:s7], $0x18000  }
0x163: {  	[sflag:s7] =	ssyncset.done $0x0  }
0x164: {  	p0 =	sne.s32 s1, $0x1;
	[sflag:s7] =	ssyncadd.s32 $0xFFFE8000  }
0x165: {  	[tilespmem:s6], [sflag:$0x1] =	stream.indirect.gather.add.f32 [hbm:s4], $0x300, s31, s5, $0xb8;
	[tilespmem:$0x19400] =	vst v63  }
.Ltmp1:
0x166: {  	_ =	swait.ge [sflag:s7], $0x18000;
	(pc) =	sbr.rel @p0 .LBB2_1-.Ltmp1, $4  }
0x167: {  	[sflag:s7] =	ssyncset.done $0x0  }
0x168: {  	s0 =	rddreg [dreg:$0x3];
	[sflag:s7] =	ssyncadd.s32 $0xFFFE8000  }
0x169: {  	[hbm4b:s0+s2] =	stream.linear.scatter [tilespmem:s6], [sflag:$0x2], $0x18000, $0x38;
	[tilespmem:$0x19400] =	vst v63  }
0x16a: {  	s1 =	sadd.s32 $0xFFFFFFFF, s1;
	_ =	swait.ge [sflag:s3], $0x18000  }
.LBB2_2:
0x16b: {  	[sflag:s3] =	ssyncset.done $0x0  }
0x16c: {  	[sflag:s3] =	ssyncadd.s32 $0xFFFE8000  }
0x16d: {  	_ =	sfence.sel $0x180000  }
0x16e: {  	[bflag:$0x0] =	sbarrier.arrive $0xFFFF  }
0x16f: {  	_ =	strace $0x90000047  }
0x170: {  	s0 =	stileid.u32;
	[bflag:$0x2] =	sbarrier.arrive $0xFFFF  }
0x171: {  	p0 =	sne.s32 s0, $0x0;
	s0 =	rddreg [dreg:$0x1]  }
0x172: {  	s0 =	sadd.s32 @!p0 $0x100000, s0  }
0x173: {  	[sflag:s0] =	ssyncadd.tile.s32 @!p0 $0x1;
	_ =	shalt  }
.Lfunc_end2:
_tile_overlayer_lowered:
.L_overlay_start_2:
0x174: {  	(tag) =	ssettag $0x2  }
0x175: {  	s0 =	rddreg [dreg:$0x0];
	s2 =	stileid.u32  }
0x176: {  	s1 =	rddreg [dreg:$0x1];
	p0 =	sne.s32 s2, $0x0  }
0x177: {  	s3 =	rddreg [dreg:$0x2];
	[bflag:$0x3] =	sbarrier.arrive $0xFFFF;
	s2 =	simm.s32 @!p0 $0x1C02  }
0x178: {  	[timem:s3], [sflag:s2] =	dma.local @!p0 [hbm:s0], s1  }
0x179: {  	s0 =	simm.s32 @!p0 $0x2  }
0x17a: {  	_ =	swait.ge @!p0 [sflag:s0], s1  }
0x17b: {  	s1 =	ssub.s32 @!p0 $0x0, s1;
	[sflag:s0] =	ssyncset.done @!p0 $0x0  }
0x17c: {  	[sflag:s0] =	ssyncadd.s32 @!p0 s1  }
0x17d: {  	[bflag:$0x3] =	sbarrier.arrive $0xFFFF  }
0x17e: {  	_ =	shalt  }

</sc_bundles>
